<compile_context>
chip_gen: v7x
topology: tpu7x:2x2x1
jax: 0.10.2.dev20260603
libtpu: 0.0.44.dev20260713+nightly
codegen_flags: <defaults>
</compile_context>

<pallas_src>
import functools

import jax
import jax.numpy as jnp
from jax import lax
from jax.experimental import pallas as pl
from jax.experimental.pallas import tpu as pltpu
from jax.experimental.pallas import tpu_sc as plsc

D_MODEL = 64
IDX_W = 128
BLK = 1024
HALF = BLK // 2
KH = HALF // IDX_W


@functools.lru_cache(maxsize=None)
def _make_gather(ntot: int):
    info = plsc.get_sparse_core_info()
    nc, ns = info.num_cores, info.num_subcores
    nw = nc * ns
    per_w = ntot // nw
    assert per_w * nw == ntot and per_w % BLK == 0
    nblk = per_w // BLK
    rows_per_blk = BLK // IDX_W
    n_idx_rows = ntot // IDX_W
    mesh = plsc.VectorSubcoreMesh(core_axis_name="c", subcore_axis_name="s")

    @functools.partial(
        pl.kernel,
        out_type=jax.ShapeDtypeStruct((ntot, D_MODEL), jnp.float32),
        mesh=mesh,
        compiler_params=pltpu.CompilerParams(use_tc_tiling_on_sc=False),
        scratch_types=[
            pltpu.VMEM((2, rows_per_blk, IDX_W), jnp.int32),
            pltpu.VMEM((2, HALF, D_MODEL), jnp.float32),
            pltpu.SemaphoreType.DMA,
            pltpu.SemaphoreType.DMA,
            pltpu.SemaphoreType.DMA,
            pltpu.SemaphoreType.DMA,
        ],
    )
    def gather_k(idx_hbm, table_hbm, out_hbm, idx_v, rows_v, gsem, ssem0,
                 ssem1, isem):
        wid = lax.axis_index("s") * nc + lax.axis_index("c")
        base = wid * per_w
        base_row = wid * (per_w // IDX_W)
        ssems = (ssem0, ssem1)

        def idx_fetch(b):
            row = lax.min(base_row + b * rows_per_blk,
                          n_idx_rows - rows_per_blk)
            row = pl.multiple_of(row, 8)
            return pltpu.make_async_copy(
                idx_hbm.at[pl.ds(row, rows_per_blk)], idx_v.at[b % 2], isem)

        def store_desc(p, off):
            return pltpu.make_async_copy(
                rows_v.at[p], out_hbm.at[pl.ds(off, HALF)], ssems[p])

        def half_iter(b, half, drain):
            p = half
            off = base + b * BLK + half * HALF
            if drain:
                store_desc(p, off).wait()
            copies = [
                pltpu.async_copy(
                    table_hbm.at[idx_v.at[b % 2].at[half * KH + jj]],
                    rows_v.at[p].at[pl.ds(jj * IDX_W, IDX_W)],
                    gsem)
                for jj in range(KH)
            ]
            if half == 0:
                idx_fetch(b + 1).start()
            for c in copies:
                c.wait()
            store_desc(p, off).start()

        idx_fetch(0).start()
        idx_fetch(0).wait()
        half_iter(0, 0, drain=False)
        half_iter(0, 1, drain=False)

        def body(b, carry):
            idx_fetch(b).wait()
            half_iter(b, 0, drain=True)
            half_iter(b, 1, drain=True)
            return carry

        lax.fori_loop(1, nblk, body, 0, unroll=False)

        idx_fetch(nblk).wait()
        store_desc(0, base + (nblk - 1) * BLK).wait()
        store_desc(1, base + (nblk - 1) * BLK + HALF).wait()

    return gather_k


def _mm_body(c_ref, w_ref, o_ref):
    o_ref[...] = lax.dot_general(
        c_ref[...], w_ref[...],
        dimension_numbers=(((1,), (1,)), ((), ())),
        preferred_element_type=jnp.float32,
    )


def _cond_proj(condition, w_cond):
    b = condition.shape[0]
    return pl.pallas_call(
        _mm_body,
        out_shape=jax.ShapeDtypeStruct((b, w_cond.shape[0]), jnp.float32),
    )(condition, w_cond)


def kernel(x, condition, table, W_cond):
    b, l = x.shape
    ntot = b * l
    idx = x.reshape(ntot // IDX_W, IDX_W).astype(jnp.int32)
    gather_k = _make_gather(ntot)
    x_emb = gather_k(idx, table).reshape(b, l, D_MODEL)
    cond_emb = _cond_proj(condition, W_cond)
    return (x_emb, cond_emb)

# --- scband reference (transcript-rebuilt; emitter-appended) ---
"""Pipeline reference for scband-fsq-encoder-embedding-14834817040782 (READ-ONLY COPY).

The authoritative reference and input builder live on the scoring server;
editing this copy changes nothing except your own understanding.
"""

import jax, jax.numpy as jnp
import numpy as np

VOCAB = 1000000
D_MODEL = 64
COND_DIM = 128
B = 4096
L = 200

def setup_inputs(seed: int = 0) -> dict:
    key = jax.random.key(seed)
    k1, k2, k3, k4 = jax.random.split(key, 4)
    x = jax.random.randint(k1, (B, L), 0, VOCAB, dtype=jnp.int64 if jax.config.jax_enable_x64 else jnp.int32)
    condition = jax.random.normal(k2, (B, COND_DIM), dtype=jnp.float32)
    # learned params
    table = jax.random.normal(k3, (VOCAB, D_MODEL), dtype=jnp.float32) * 0.02
    W_cond = jax.random.normal(k4, (D_MODEL, COND_DIM), dtype=jnp.float32) * (1.0 / np.sqrt(COND_DIM))  # torch Linear weight [out, in]
    return {"x": x, "condition": condition, "table": table, "W_cond": W_cond}

def reference(x, condition, table, W_cond):
    # x_emb = nn.Embedding(vocab_size, d_model)(x)
    x_emb = jnp.take(table, x, axis=0)
    # condition_emb = nn.Linear(condition_dim, d_model, bias=False)(condition)
    condition_emb = condition @ W_cond.T
    return (x_emb, condition_emb)

if __name__ == "__main__":
    import jax
    _d = setup_inputs()
    print(jax.jit(kernel)(*tuple(_d.values())))

</pallas_src>

<mosaic_0001>
#map = affine_map<(d0, d1) -> (0, 0)>
module attributes {stable_mosaic.version = 14 : i64} {
  func.func @gather_k(%arg0: i32, %arg1: i32, %arg2: memref<6400x128xi32, #tpu.memory_space<hbm>>, %arg3: memref<1000000x64xf32, #tpu.memory_space<hbm>>, %arg4: memref<819200x64xf32, #tpu.memory_space<hbm>>, %arg5: memref<2x8x128xi32, #tpu.memory_space<vmem>>, %arg6: memref<2x512x64xf32, #tpu.memory_space<vmem>>, %arg7: memref<!tpu.dma_semaphore, #tpu.memory_space<semaphore_mem>>, %arg8: memref<!tpu.dma_semaphore, #tpu.memory_space<semaphore_mem>>, %arg9: memref<!tpu.dma_semaphore, #tpu.memory_space<semaphore_mem>>, %arg10: memref<!tpu.dma_semaphore, #tpu.memory_space<semaphore_mem>>) attributes {dimension_semantics = [#tpu.dimension_semantics<core_parallel>, #tpu.dimension_semantics<subcore_parallel>], iteration_bounds = array<i64: 2, 16>, scalar_prefetch = 0 : i64, scratch_operands = 6 : i64, tpu.core_type = #tpu.core_type<sc_vector_subcore>, window_params = [{transform_indices = #map}, {transform_indices = #map}, {transform_indices = #map}]} {
    %mul3A = arith.constant 2 : i32
    %mul3A_0 = arith.muli %arg1, %mul3A : i32
    %add3A = arith.addi %mul3A_0, %arg0 : i32
    %mul3A_1 = arith.constant 25600 : i32
    %mul3A_2 = arith.muli %add3A, %mul3A_1 : i32
    %mul3A_3 = arith.constant 200 : i32
    %mul3A_4 = arith.muli %add3A, %mul3A_3 : i32
    %add3A_5 = arith.constant 0 : i32
    %add3A_6 = arith.addi %mul3A_4, %add3A_5 : i32
    %min3A = arith.constant 6392 : i32
    %min3A_7 = arith.minsi %add3A_6, %min3A : i32
    %multiple_of3A = tpu.assume_multiple %min3A_7, 8 : i32
    %dma_start3A = arith.constant 0 : i32
    %dma_start3A_8 = arith.constant 0 : i32
    %dma_start3A_9 = arith.constant 0 : i32
    %dma_start3A_10 = tpu.memref_slice %arg5[%dma_start3A, %dma_start3A_8, %dma_start3A_9] : memref<2x8x128xi32, #tpu.memory_space<vmem>> -> memref<1x8x128xi32, #tpu.memory_space<vmem>>
    %dma_start3A_11 = tpu.memref_squeeze %dma_start3A_10 : memref<1x8x128xi32, #tpu.memory_space<vmem>> -> memref<8x128xi32, #tpu.memory_space<vmem>>
    %dma_start3A_12 = arith.constant 0 : i32
    %dma_start3A_13 = tpu.memref_slice %arg2[%multiple_of3A, %dma_start3A_12] : memref<6400x128xi32, #tpu.memory_space<hbm>> -> memref<8x128xi32, #tpu.memory_space<hbm>>
    %dma_start3A_14 = arith.constant 0 : i32
    %dma_start3A_15 = arith.constant 0 : i32
    %dma_start3A_16 = tpu.memref_slice %arg5[%dma_start3A, %dma_start3A_14, %dma_start3A_15] : memref<2x8x128xi32, #tpu.memory_space<vmem>> -> memref<1x8x128xi32, #tpu.memory_space<vmem>>
    %dma_start3A_17 = tpu.memref_squeeze %dma_start3A_16 : memref<1x8x128xi32, #tpu.memory_space<vmem>> -> memref<8x128xi32, #tpu.memory_space<vmem>>
    %dma_start3A_18 = arith.constant 0 : i32
    %dma_start3A_19 = tpu.memref_slice %arg2[%multiple_of3A, %dma_start3A_18] : memref<6400x128xi32, #tpu.memory_space<hbm>> -> memref<8x128xi32, #tpu.memory_space<hbm>>
    tpu.enqueue_dma source(%dma_start3A_19 : memref<8x128xi32, #tpu.memory_space<hbm>>) target(%dma_start3A_17 : memref<8x128xi32, #tpu.memory_space<vmem>>) target_semaphore(%arg10 : memref<!tpu.dma_semaphore, #tpu.memory_space<semaphore_mem>>)
    %add3A_20 = arith.constant 0 : i32
    %add3A_21 = arith.addi %mul3A_4, %add3A_20 : i32
    %min3A_22 = arith.constant 6392 : i32
    %min3A_23 = arith.minsi %add3A_21, %min3A_22 : i32
    %multiple_of3A_24 = tpu.assume_multiple %min3A_23, 8 : i32
    %dma_wait3A = arith.constant 0 : i32
    %dma_wait3A_25 = arith.constant 0 : i32
    %dma_wait3A_26 = arith.constant 0 : i32
    %dma_wait3A_27 = tpu.memref_slice %arg5[%dma_wait3A, %dma_wait3A_25, %dma_wait3A_26] : memref<2x8x128xi32, #tpu.memory_space<vmem>> -> memref<1x8x128xi32, #tpu.memory_space<vmem>>
    %dma_wait3A_28 = tpu.memref_squeeze %dma_wait3A_27 : memref<1x8x128xi32, #tpu.memory_space<vmem>> -> memref<8x128xi32, #tpu.memory_space<vmem>>
    %dma_wait3A_29 = arith.constant 0 : i32
    %dma_wait3A_30 = tpu.memref_slice %arg2[%multiple_of3A_24, %dma_wait3A_29] : memref<6400x128xi32, #tpu.memory_space<hbm>> -> memref<8x128xi32, #tpu.memory_space<hbm>>
    %dma_wait3A_31 = arith.constant 0 : i32
    %dma_wait3A_32 = arith.constant 0 : i32
    %dma_wait3A_33 = tpu.memref_slice %arg5[%dma_wait3A, %dma_wait3A_31, %dma_wait3A_32] : memref<2x8x128xi32, #tpu.memory_space<vmem>> -> memref<1x8x128xi32, #tpu.memory_space<vmem>>
    %dma_wait3A_34 = tpu.memref_squeeze %dma_wait3A_33 : memref<1x8x128xi32, #tpu.memory_space<vmem>> -> memref<8x128xi32, #tpu.memory_space<vmem>>
    %dma_wait3A_35 = arith.constant 0 : i32
    %dma_wait3A_36 = tpu.memref_slice %arg2[%multiple_of3A_24, %dma_wait3A_35] : memref<6400x128xi32, #tpu.memory_space<hbm>> -> memref<8x128xi32, #tpu.memory_space<hbm>>
    tpu.wait_dma2 semaphore(%arg10 : memref<!tpu.dma_semaphore, #tpu.memory_space<semaphore_mem>>) src(%dma_wait3A_36 : memref<8x128xi32, #tpu.memory_space<hbm>>) dst(%dma_wait3A_34 : memref<8x128xi32, #tpu.memory_space<vmem>>)
    %add3A_37 = arith.constant 0 : i32
    %add3A_38 = arith.addi %mul3A_2, %add3A_37 : i32
    %add3A_39 = arith.constant 0 : i32
    %add3A_40 = arith.addi %add3A_38, %add3A_39 : i32
    %dma_start3A_41 = arith.constant 0 : i32
    %dma_start3A_42 = arith.constant 0 : i32
    %dma_start3A_43 = arith.constant 0 : i32
    %dma_start3A_44 = arith.constant 0 : i32
    %dma_start3A_45 = arith.constant 0 : i32
    %dma_start3A_46 = tpu.memref_slice %arg6[%dma_start3A_43, %dma_start3A_44, %dma_start3A_45] : memref<2x512x64xf32, #tpu.memory_space<vmem>> -> memref<1x512x64xf32, #tpu.memory_space<vmem>>
    %dma_start3A_47 = tpu.memref_squeeze %dma_start3A_46 : memref<1x512x64xf32, #tpu.memory_space<vmem>> -> memref<512x64xf32, #tpu.memory_space<vmem>>
    %dma_start3A_48 = arith.constant 0 : i32
    %dma_start3A_49 = arith.constant 0 : i32
    %dma_start3A_50 = tpu.memref_slice %dma_start3A_47[%dma_start3A_48, %dma_start3A_49] : memref<512x64xf32, #tpu.memory_space<vmem>> -> memref<128x64xf32, #tpu.memory_space<vmem>>
    %dma_start3A_51 = arith.constant 0 : i32
    %dma_start3A_52 = arith.constant 0 : i32
    %dma_start3A_53 = tpu.memref_slice %arg5[%dma_start3A_41, %dma_start3A_51, %dma_start3A_52] : memref<2x8x128xi32, #tpu.memory_space<vmem>> -> memref<1x8x128xi32, #tpu.memory_space<vmem>>
    %dma_start3A_54 = tpu.memref_squeeze %dma_start3A_53 : memref<1x8x128xi32, #tpu.memory_space<vmem>> -> memref<8x128xi32, #tpu.memory_space<vmem>>
    %dma_start3A_55 = arith.constant 0 : i32
    %dma_start3A_56 = tpu.memref_slice %dma_start3A_54[%dma_start3A_42, %dma_start3A_55] : memref<8x128xi32, #tpu.memory_space<vmem>> -> memref<1x128xi32, #tpu.memory_space<vmem>>
    %dma_start3A_57 = tpu.memref_squeeze %dma_start3A_56 : memref<1x128xi32, #tpu.memory_space<vmem>> -> memref<128xi32, #tpu.memory_space<vmem>>
    %dma_start3A_58 = arith.constant 0 : i32
    %dma_start3A_59 = arith.constant 0 : i32
    %dma_start3A_60 = tpu.memref_slice %arg3[%dma_start3A_58, %dma_start3A_59] : memref<1000000x64xf32, #tpu.memory_space<hbm>> -> memref<1000000x64xf32, #tpu.memory_space<hbm>>
    tpu.enqueue_indirect_dma source(%dma_start3A_60 : memref<1000000x64xf32, #tpu.memory_space<hbm>>) target(%dma_start3A_50 : memref<128x64xf32, #tpu.memory_space<vmem>>) offsets(%dma_start3A_57 : memref<128xi32, #tpu.memory_space<vmem>>) semaphore(%arg7 : memref<!tpu.dma_semaphore, #tpu.memory_space<semaphore_mem>>)
    %dma_start3A_61 = arith.constant 0 : i32
    %dma_start3A_62 = arith.constant 1 : i32
    %dma_start3A_63 = arith.constant 0 : i32
    %dma_start3A_64 = arith.constant 0 : i32
    %dma_start3A_65 = arith.constant 0 : i32
    %dma_start3A_66 = tpu.memref_slice %arg6[%dma_start3A_63, %dma_start3A_64, %dma_start3A_65] : memref<2x512x64xf32, #tpu.memory_space<vmem>> -> memref<1x512x64xf32, #tpu.memory_space<vmem>>
    %dma_start3A_67 = tpu.memref_squeeze %dma_start3A_66 : memref<1x512x64xf32, #tpu.memory_space<vmem>> -> memref<512x64xf32, #tpu.memory_space<vmem>>
    %dma_start3A_68 = arith.constant 128 : i32
    %dma_start3A_69 = arith.constant 0 : i32
    %dma_start3A_70 = tpu.memref_slice %dma_start3A_67[%dma_start3A_68, %dma_start3A_69] : memref<512x64xf32, #tpu.memory_space<vmem>> -> memref<128x64xf32, #tpu.memory_space<vmem>>
    %dma_start3A_71 = arith.constant 0 : i32
    %dma_start3A_72 = arith.constant 0 : i32
    %dma_start3A_73 = tpu.memref_slice %arg5[%dma_start3A_61, %dma_start3A_71, %dma_start3A_72] : memref<2x8x128xi32, #tpu.memory_space<vmem>> -> memref<1x8x128xi32, #tpu.memory_space<vmem>>
    %dma_start3A_74 = tpu.memref_squeeze %dma_start3A_73 : memref<1x8x128xi32, #tpu.memory_space<vmem>> -> memref<8x128xi32, #tpu.memory_space<vmem>>
    %dma_start3A_75 = arith.constant 0 : i32
    %dma_start3A_76 = tpu.memref_slice %dma_start3A_74[%dma_start3A_62, %dma_start3A_75] : memref<8x128xi32, #tpu.memory_space<vmem>> -> memref<1x128xi32, #tpu.memory_space<vmem>>
    %dma_start3A_77 = tpu.memref_squeeze %dma_start3A_76 : memref<1x128xi32, #tpu.memory_space<vmem>> -> memref<128xi32, #tpu.memory_space<vmem>>
    %dma_start3A_78 = arith.constant 0 : i32
    %dma_start3A_79 = arith.constant 0 : i32
    %dma_start3A_80 = tpu.memref_slice %arg3[%dma_start3A_78, %dma_start3A_79] : memref<1000000x64xf32, #tpu.memory_space<hbm>> -> memref<1000000x64xf32, #tpu.memory_space<hbm>>
    tpu.enqueue_indirect_dma source(%dma_start3A_80 : memref<1000000x64xf32, #tpu.memory_space<hbm>>) target(%dma_start3A_70 : memref<128x64xf32, #tpu.memory_space<vmem>>) offsets(%dma_start3A_77 : memref<128xi32, #tpu.memory_space<vmem>>) semaphore(%arg7 : memref<!tpu.dma_semaphore, #tpu.memory_space<semaphore_mem>>)
    %dma_start3A_81 = arith.constant 0 : i32
    %dma_start3A_82 = arith.constant 2 : i32
    %dma_start3A_83 = arith.constant 0 : i32
    %dma_start3A_84 = arith.constant 0 : i32
    %dma_start3A_85 = arith.constant 0 : i32
    %dma_start3A_86 = tpu.memref_slice %arg6[%dma_start3A_83, %dma_start3A_84, %dma_start3A_85] : memref<2x512x64xf32, #tpu.memory_space<vmem>> -> memref<1x512x64xf32, #tpu.memory_space<vmem>>
    %dma_start3A_87 = tpu.memref_squeeze %dma_start3A_86 : memref<1x512x64xf32, #tpu.memory_space<vmem>> -> memref<512x64xf32, #tpu.memory_space<vmem>>
    %dma_start3A_88 = arith.constant 256 : i32
    %dma_start3A_89 = arith.constant 0 : i32
    %dma_start3A_90 = tpu.memref_slice %dma_start3A_87[%dma_start3A_88, %dma_start3A_89] : memref<512x64xf32, #tpu.memory_space<vmem>> -> memref<128x64xf32, #tpu.memory_space<vmem>>
    %dma_start3A_91 = arith.constant 0 : i32
    %dma_start3A_92 = arith.constant 0 : i32
    %dma_start3A_93 = tpu.memref_slice %arg5[%dma_start3A_81, %dma_start3A_91, %dma_start3A_92] : memref<2x8x128xi32, #tpu.memory_space<vmem>> -> memref<1x8x128xi32, #tpu.memory_space<vmem>>
    %dma_start3A_94 = tpu.memref_squeeze %dma_start3A_93 : memref<1x8x128xi32, #tpu.memory_space<vmem>> -> memref<8x128xi32, #tpu.memory_space<vmem>>
    %dma_start3A_95 = arith.constant 0 : i32
    %dma_start3A_96 = tpu.memref_slice %dma_start3A_94[%dma_start3A_82, %dma_start3A_95] : memref<8x128xi32, #tpu.memory_space<vmem>> -> memref<1x128xi32, #tpu.memory_space<vmem>>
    %dma_start3A_97 = tpu.memref_squeeze %dma_start3A_96 : memref<1x128xi32, #tpu.memory_space<vmem>> -> memref<128xi32, #tpu.memory_space<vmem>>
    %dma_start3A_98 = arith.constant 0 : i32
    %dma_start3A_99 = arith.constant 0 : i32
    %dma_start3A_100 = tpu.memref_slice %arg3[%dma_start3A_98, %dma_start3A_99] : memref<1000000x64xf32, #tpu.memory_space<hbm>> -> memref<1000000x64xf32, #tpu.memory_space<hbm>>
    tpu.enqueue_indirect_dma source(%dma_start3A_100 : memref<1000000x64xf32, #tpu.memory_space<hbm>>) target(%dma_start3A_90 : memref<128x64xf32, #tpu.memory_space<vmem>>) offsets(%dma_start3A_97 : memref<128xi32, #tpu.memory_space<vmem>>) semaphore(%arg7 : memref<!tpu.dma_semaphore, #tpu.memory_space<semaphore_mem>>)
    %dma_start3A_101 = arith.constant 0 : i32
    %dma_start3A_102 = arith.constant 3 : i32
    %dma_start3A_103 = arith.constant 0 : i32
    %dma_start3A_104 = arith.constant 0 : i32
    %dma_start3A_105 = arith.constant 0 : i32
    %dma_start3A_106 = tpu.memref_slice %arg6[%dma_start3A_103, %dma_start3A_104, %dma_start3A_105] : memref<2x512x64xf32, #tpu.memory_space<vmem>> -> memref<1x512x64xf32, #tpu.memory_space<vmem>>
    %dma_start3A_107 = tpu.memref_squeeze %dma_start3A_106 : memref<1x512x64xf32, #tpu.memory_space<vmem>> -> memref<512x64xf32, #tpu.memory_space<vmem>>
    %dma_start3A_108 = arith.constant 384 : i32
    %dma_start3A_109 = arith.constant 0 : i32
    %dma_start3A_110 = tpu.memref_slice %dma_start3A_107[%dma_start3A_108, %dma_start3A_109] : memref<512x64xf32, #tpu.memory_space<vmem>> -> memref<128x64xf32, #tpu.memory_space<vmem>>
    %dma_start3A_111 = arith.constant 0 : i32
    %dma_start3A_112 = arith.constant 0 : i32
    %dma_start3A_113 = tpu.memref_slice %arg5[%dma_start3A_101, %dma_start3A_111, %dma_start3A_112] : memref<2x8x128xi32, #tpu.memory_space<vmem>> -> memref<1x8x128xi32, #tpu.memory_space<vmem>>
    %dma_start3A_114 = tpu.memref_squeeze %dma_start3A_113 : memref<1x8x128xi32, #tpu.memory_space<vmem>> -> memref<8x128xi32, #tpu.memory_space<vmem>>
    %dma_start3A_115 = arith.constant 0 : i32
    %dma_start3A_116 = tpu.memref_slice %dma_start3A_114[%dma_start3A_102, %dma_start3A_115] : memref<8x128xi32, #tpu.memory_space<vmem>> -> memref<1x128xi32, #tpu.memory_space<vmem>>
    %dma_start3A_117 = tpu.memref_squeeze %dma_start3A_116 : memref<1x128xi32, #tpu.memory_space<vmem>> -> memref<128xi32, #tpu.memory_space<vmem>>
    %dma_start3A_118 = arith.constant 0 : i32
    %dma_start3A_119 = arith.constant 0 : i32
    %dma_start3A_120 = tpu.memref_slice %arg3[%dma_start3A_118, %dma_start3A_119] : memref<1000000x64xf32, #tpu.memory_space<hbm>> -> memref<1000000x64xf32, #tpu.memory_space<hbm>>
    tpu.enqueue_indirect_dma source(%dma_start3A_120 : memref<1000000x64xf32, #tpu.memory_space<hbm>>) target(%dma_start3A_110 : memref<128x64xf32, #tpu.memory_space<vmem>>) offsets(%dma_start3A_117 : memref<128xi32, #tpu.memory_space<vmem>>) semaphore(%arg7 : memref<!tpu.dma_semaphore, #tpu.memory_space<semaphore_mem>>)
    %add3A_121 = arith.constant 8 : i32
    %add3A_122 = arith.addi %mul3A_4, %add3A_121 : i32
    %min3A_123 = arith.constant 6392 : i32
    %min3A_124 = arith.minsi %add3A_122, %min3A_123 : i32
    %multiple_of3A_125 = tpu.assume_multiple %min3A_124, 8 : i32
    %dma_start3A_126 = arith.constant 1 : i32
    %dma_start3A_127 = arith.constant 0 : i32
    %dma_start3A_128 = arith.constant 0 : i32
    %dma_start3A_129 = tpu.memref_slice %arg5[%dma_start3A_126, %dma_start3A_127, %dma_start3A_128] : memref<2x8x128xi32, #tpu.memory_space<vmem>> -> memref<1x8x128xi32, #tpu.memory_space<vmem>>
    %dma_start3A_130 = tpu.memref_squeeze %dma_start3A_129 : memref<1x8x128xi32, #tpu.memory_space<vmem>> -> memref<8x128xi32, #tpu.memory_space<vmem>>
    %dma_start3A_131 = arith.constant 0 : i32
    %dma_start3A_132 = tpu.memref_slice %arg2[%multiple_of3A_125, %dma_start3A_131] : memref<6400x128xi32, #tpu.memory_space<hbm>> -> memref<8x128xi32, #tpu.memory_space<hbm>>
    %dma_start3A_133 = arith.constant 0 : i32
    %dma_start3A_134 = arith.constant 0 : i32
    %dma_start3A_135 = tpu.memref_slice %arg5[%dma_start3A_126, %dma_start3A_133, %dma_start3A_134] : memref<2x8x128xi32, #tpu.memory_space<vmem>> -> memref<1x8x128xi32, #tpu.memory_space<vmem>>
    %dma_start3A_136 = tpu.memref_squeeze %dma_start3A_135 : memref<1x8x128xi32, #tpu.memory_space<vmem>> -> memref<8x128xi32, #tpu.memory_space<vmem>>
    %dma_start3A_137 = arith.constant 0 : i32
    %dma_start3A_138 = tpu.memref_slice %arg2[%multiple_of3A_125, %dma_start3A_137] : memref<6400x128xi32, #tpu.memory_space<hbm>> -> memref<8x128xi32, #tpu.memory_space<hbm>>
    tpu.enqueue_dma source(%dma_start3A_138 : memref<8x128xi32, #tpu.memory_space<hbm>>) target(%dma_start3A_136 : memref<8x128xi32, #tpu.memory_space<vmem>>) target_semaphore(%arg10 : memref<!tpu.dma_semaphore, #tpu.memory_space<semaphore_mem>>)
    %dma_wait3A_139 = arith.constant 0 : i32
    %dma_wait3A_140 = arith.constant 0 : i32
    %dma_wait3A_141 = arith.constant 0 : i32
    %dma_wait3A_142 = arith.constant 0 : i32
    %dma_wait3A_143 = arith.constant 0 : i32
    %dma_wait3A_144 = tpu.memref_slice %arg6[%dma_wait3A_141, %dma_wait3A_142, %dma_wait3A_143] : memref<2x512x64xf32, #tpu.memory_space<vmem>> -> memref<1x512x64xf32, #tpu.memory_space<vmem>>
    %dma_wait3A_145 = tpu.memref_squeeze %dma_wait3A_144 : memref<1x512x64xf32, #tpu.memory_space<vmem>> -> memref<512x64xf32, #tpu.memory_space<vmem>>
    %dma_wait3A_146 = arith.constant 0 : i32
    %dma_wait3A_147 = arith.constant 0 : i32
    %dma_wait3A_148 = tpu.memref_slice %dma_wait3A_145[%dma_wait3A_146, %dma_wait3A_147] : memref<512x64xf32, #tpu.memory_space<vmem>> -> memref<128x64xf32, #tpu.memory_space<vmem>>
    %dma_wait3A_149 = arith.constant 0 : i32
    %dma_wait3A_150 = arith.constant 0 : i32
    %dma_wait3A_151 = tpu.memref_slice %arg5[%dma_wait3A_139, %dma_wait3A_149, %dma_wait3A_150] : memref<2x8x128xi32, #tpu.memory_space<vmem>> -> memref<1x8x128xi32, #tpu.memory_space<vmem>>
    %dma_wait3A_152 = tpu.memref_squeeze %dma_wait3A_151 : memref<1x8x128xi32, #tpu.memory_space<vmem>> -> memref<8x128xi32, #tpu.memory_space<vmem>>
    %dma_wait3A_153 = arith.constant 0 : i32
    %dma_wait3A_154 = tpu.memref_slice %dma_wait3A_152[%dma_wait3A_140, %dma_wait3A_153] : memref<8x128xi32, #tpu.memory_space<vmem>> -> memref<1x128xi32, #tpu.memory_space<vmem>>
    %dma_wait3A_155 = tpu.memref_squeeze %dma_wait3A_154 : memref<1x128xi32, #tpu.memory_space<vmem>> -> memref<128xi32, #tpu.memory_space<vmem>>
    %dma_wait3A_156 = arith.constant 0 : i32
    %dma_wait3A_157 = arith.constant 0 : i32
    %dma_wait3A_158 = tpu.memref_slice %arg3[%dma_wait3A_156, %dma_wait3A_157] : memref<1000000x64xf32, #tpu.memory_space<hbm>> -> memref<1000000x64xf32, #tpu.memory_space<hbm>>
    tpu.wait_indirect_dma semaphore(%arg7 : memref<!tpu.dma_semaphore, #tpu.memory_space<semaphore_mem>>) src(%dma_wait3A_158 : memref<1000000x64xf32, #tpu.memory_space<hbm>>) dst(%dma_wait3A_148 : memref<128x64xf32, #tpu.memory_space<vmem>>)
    %dma_wait3A_159 = arith.constant 0 : i32
    %dma_wait3A_160 = arith.constant 1 : i32
    %dma_wait3A_161 = arith.constant 0 : i32
    %dma_wait3A_162 = arith.constant 0 : i32
    %dma_wait3A_163 = arith.constant 0 : i32
    %dma_wait3A_164 = tpu.memref_slice %arg6[%dma_wait3A_161, %dma_wait3A_162, %dma_wait3A_163] : memref<2x512x64xf32, #tpu.memory_space<vmem>> -> memref<1x512x64xf32, #tpu.memory_space<vmem>>
    %dma_wait3A_165 = tpu.memref_squeeze %dma_wait3A_164 : memref<1x512x64xf32, #tpu.memory_space<vmem>> -> memref<512x64xf32, #tpu.memory_space<vmem>>
    %dma_wait3A_166 = arith.constant 128 : i32
    %dma_wait3A_167 = arith.constant 0 : i32
    %dma_wait3A_168 = tpu.memref_slice %dma_wait3A_165[%dma_wait3A_166, %dma_wait3A_167] : memref<512x64xf32, #tpu.memory_space<vmem>> -> memref<128x64xf32, #tpu.memory_space<vmem>>
    %dma_wait3A_169 = arith.constant 0 : i32
    %dma_wait3A_170 = arith.constant 0 : i32
    %dma_wait3A_171 = tpu.memref_slice %arg5[%dma_wait3A_159, %dma_wait3A_169, %dma_wait3A_170] : memref<2x8x128xi32, #tpu.memory_space<vmem>> -> memref<1x8x128xi32, #tpu.memory_space<vmem>>
    %dma_wait3A_172 = tpu.memref_squeeze %dma_wait3A_171 : memref<1x8x128xi32, #tpu.memory_space<vmem>> -> memref<8x128xi32, #tpu.memory_space<vmem>>
    %dma_wait3A_173 = arith.constant 0 : i32
    %dma_wait3A_174 = tpu.memref_slice %dma_wait3A_172[%dma_wait3A_160, %dma_wait3A_173] : memref<8x128xi32, #tpu.memory_space<vmem>> -> memref<1x128xi32, #tpu.memory_space<vmem>>
    %dma_wait3A_175 = tpu.memref_squeeze %dma_wait3A_174 : memref<1x128xi32, #tpu.memory_space<vmem>> -> memref<128xi32, #tpu.memory_space<vmem>>
    %dma_wait3A_176 = arith.constant 0 : i32
    %dma_wait3A_177 = arith.constant 0 : i32
    %dma_wait3A_178 = tpu.memref_slice %arg3[%dma_wait3A_176, %dma_wait3A_177] : memref<1000000x64xf32, #tpu.memory_space<hbm>> -> memref<1000000x64xf32, #tpu.memory_space<hbm>>
    tpu.wait_indirect_dma semaphore(%arg7 : memref<!tpu.dma_semaphore, #tpu.memory_space<semaphore_mem>>) src(%dma_wait3A_178 : memref<1000000x64xf32, #tpu.memory_space<hbm>>) dst(%dma_wait3A_168 : memref<128x64xf32, #tpu.memory_space<vmem>>)
    %dma_wait3A_179 = arith.constant 0 : i32
    %dma_wait3A_180 = arith.constant 2 : i32
    %dma_wait3A_181 = arith.constant 0 : i32
    %dma_wait3A_182 = arith.constant 0 : i32
    %dma_wait3A_183 = arith.constant 0 : i32
    %dma_wait3A_184 = tpu.memref_slice %arg6[%dma_wait3A_181, %dma_wait3A_182, %dma_wait3A_183] : memref<2x512x64xf32, #tpu.memory_space<vmem>> -> memref<1x512x64xf32, #tpu.memory_space<vmem>>
    %dma_wait3A_185 = tpu.memref_squeeze %dma_wait3A_184 : memref<1x512x64xf32, #tpu.memory_space<vmem>> -> memref<512x64xf32, #tpu.memory_space<vmem>>
    %dma_wait3A_186 = arith.constant 256 : i32
    %dma_wait3A_187 = arith.constant 0 : i32
    %dma_wait3A_188 = tpu.memref_slice %dma_wait3A_185[%dma_wait3A_186, %dma_wait3A_187] : memref<512x64xf32, #tpu.memory_space<vmem>> -> memref<128x64xf32, #tpu.memory_space<vmem>>
    %dma_wait3A_189 = arith.constant 0 : i32
    %dma_wait3A_190 = arith.constant 0 : i32
    %dma_wait3A_191 = tpu.memref_slice %arg5[%dma_wait3A_179, %dma_wait3A_189, %dma_wait3A_190] : memref<2x8x128xi32, #tpu.memory_space<vmem>> -> memref<1x8x128xi32, #tpu.memory_space<vmem>>
    %dma_wait3A_192 = tpu.memref_squeeze %dma_wait3A_191 : memref<1x8x128xi32, #tpu.memory_space<vmem>> -> memref<8x128xi32, #tpu.memory_space<vmem>>
    %dma_wait3A_193 = arith.constant 0 : i32
    %dma_wait3A_194 = tpu.memref_slice %dma_wait3A_192[%dma_wait3A_180, %dma_wait3A_193] : memref<8x128xi32, #tpu.memory_space<vmem>> -> memref<1x128xi32, #tpu.memory_space<vmem>>
    %dma_wait3A_195 = tpu.memref_squeeze %dma_wait3A_194 : memref<1x128xi32, #tpu.memory_space<vmem>> -> memref<128xi32, #tpu.memory_space<vmem>>
    %dma_wait3A_196 = arith.constant 0 : i32
    %dma_wait3A_197 = arith.constant 0 : i32
    %dma_wait3A_198 = tpu.memref_slice %arg3[%dma_wait3A_196, %dma_wait3A_197] : memref<1000000x64xf32, #tpu.memory_space<hbm>> -> memref<1000000x64xf32, #tpu.memory_space<hbm>>
    tpu.wait_indirect_dma semaphore(%arg7 : memref<!tpu.dma_semaphore, #tpu.memory_space<semaphore_mem>>) src(%dma_wait3A_198 : memref<1000000x64xf32, #tpu.memory_space<hbm>>) dst(%dma_wait3A_188 : memref<128x64xf32, #tpu.memory_space<vmem>>)
    %dma_wait3A_199 = arith.constant 0 : i32
    %dma_wait3A_200 = arith.constant 3 : i32
    %dma_wait3A_201 = arith.constant 0 : i32
    %dma_wait3A_202 = arith.constant 0 : i32
    %dma_wait3A_203 = arith.constant 0 : i32
    %dma_wait3A_204 = tpu.memref_slice %arg6[%dma_wait3A_201, %dma_wait3A_202, %dma_wait3A_203] : memref<2x512x64xf32, #tpu.memory_space<vmem>> -> memref<1x512x64xf32, #tpu.memory_space<vmem>>
    %dma_wait3A_205 = tpu.memref_squeeze %dma_wait3A_204 : memref<1x512x64xf32, #tpu.memory_space<vmem>> -> memref<512x64xf32, #tpu.memory_space<vmem>>
    %dma_wait3A_206 = arith.constant 384 : i32
    %dma_wait3A_207 = arith.constant 0 : i32
    %dma_wait3A_208 = tpu.memref_slice %dma_wait3A_205[%dma_wait3A_206, %dma_wait3A_207] : memref<512x64xf32, #tpu.memory_space<vmem>> -> memref<128x64xf32, #tpu.memory_space<vmem>>
    %dma_wait3A_209 = arith.constant 0 : i32
    %dma_wait3A_210 = arith.constant 0 : i32
    %dma_wait3A_211 = tpu.memref_slice %arg5[%dma_wait3A_199, %dma_wait3A_209, %dma_wait3A_210] : memref<2x8x128xi32, #tpu.memory_space<vmem>> -> memref<1x8x128xi32, #tpu.memory_space<vmem>>
    %dma_wait3A_212 = tpu.memref_squeeze %dma_wait3A_211 : memref<1x8x128xi32, #tpu.memory_space<vmem>> -> memref<8x128xi32, #tpu.memory_space<vmem>>
    %dma_wait3A_213 = arith.constant 0 : i32
    %dma_wait3A_214 = tpu.memref_slice %dma_wait3A_212[%dma_wait3A_200, %dma_wait3A_213] : memref<8x128xi32, #tpu.memory_space<vmem>> -> memref<1x128xi32, #tpu.memory_space<vmem>>
    %dma_wait3A_215 = tpu.memref_squeeze %dma_wait3A_214 : memref<1x128xi32, #tpu.memory_space<vmem>> -> memref<128xi32, #tpu.memory_space<vmem>>
    %dma_wait3A_216 = arith.constant 0 : i32
    %dma_wait3A_217 = arith.constant 0 : i32
    %dma_wait3A_218 = tpu.memref_slice %arg3[%dma_wait3A_216, %dma_wait3A_217] : memref<1000000x64xf32, #tpu.memory_space<hbm>> -> memref<1000000x64xf32, #tpu.memory_space<hbm>>
    tpu.wait_indirect_dma semaphore(%arg7 : memref<!tpu.dma_semaphore, #tpu.memory_space<semaphore_mem>>) src(%dma_wait3A_218 : memref<1000000x64xf32, #tpu.memory_space<hbm>>) dst(%dma_wait3A_208 : memref<128x64xf32, #tpu.memory_space<vmem>>)
    %dma_start3A_219 = arith.constant 0 : i32
    %dma_start3A_220 = arith.constant 0 : i32
    %dma_start3A_221 = arith.constant 0 : i32
    %dma_start3A_222 = tpu.memref_slice %arg6[%dma_start3A_219, %dma_start3A_220, %dma_start3A_221] : memref<2x512x64xf32, #tpu.memory_space<vmem>> -> memref<1x512x64xf32, #tpu.memory_space<vmem>>
    %dma_start3A_223 = tpu.memref_squeeze %dma_start3A_222 : memref<1x512x64xf32, #tpu.memory_space<vmem>> -> memref<512x64xf32, #tpu.memory_space<vmem>>
    %dma_start3A_224 = arith.constant 0 : i32
    %dma_start3A_225 = tpu.memref_slice %arg4[%add3A_40, %dma_start3A_224] : memref<819200x64xf32, #tpu.memory_space<hbm>> -> memref<512x64xf32, #tpu.memory_space<hbm>>
    %dma_start3A_226 = arith.constant 0 : i32
    %dma_start3A_227 = tpu.memref_slice %arg4[%add3A_40, %dma_start3A_226] : memref<819200x64xf32, #tpu.memory_space<hbm>> -> memref<512x64xf32, #tpu.memory_space<hbm>>
    %dma_start3A_228 = arith.constant 0 : i32
    %dma_start3A_229 = arith.constant 0 : i32
    %dma_start3A_230 = tpu.memref_slice %arg6[%dma_start3A_219, %dma_start3A_228, %dma_start3A_229] : memref<2x512x64xf32, #tpu.memory_space<vmem>> -> memref<1x512x64xf32, #tpu.memory_space<vmem>>
    %dma_start3A_231 = tpu.memref_squeeze %dma_start3A_230 : memref<1x512x64xf32, #tpu.memory_space<vmem>> -> memref<512x64xf32, #tpu.memory_space<vmem>>
    tpu.enqueue_dma source(%dma_start3A_231 : memref<512x64xf32, #tpu.memory_space<vmem>>) target(%dma_start3A_227 : memref<512x64xf32, #tpu.memory_space<hbm>>) target_semaphore(%arg8 : memref<!tpu.dma_semaphore, #tpu.memory_space<semaphore_mem>>)
    %add3A_232 = arith.constant 0 : i32
    %add3A_233 = arith.addi %mul3A_2, %add3A_232 : i32
    %add3A_234 = arith.constant 512 : i32
    %add3A_235 = arith.addi %add3A_233, %add3A_234 : i32
    %dma_start3A_236 = arith.constant 0 : i32
    %dma_start3A_237 = arith.constant 4 : i32
    %dma_start3A_238 = arith.constant 1 : i32
    %dma_start3A_239 = arith.constant 0 : i32
    %dma_start3A_240 = arith.constant 0 : i32
    %dma_start3A_241 = tpu.memref_slice %arg6[%dma_start3A_238, %dma_start3A_239, %dma_start3A_240] : memref<2x512x64xf32, #tpu.memory_space<vmem>> -> memref<1x512x64xf32, #tpu.memory_space<vmem>>
    %dma_start3A_242 = tpu.memref_squeeze %dma_start3A_241 : memref<1x512x64xf32, #tpu.memory_space<vmem>> -> memref<512x64xf32, #tpu.memory_space<vmem>>
    %dma_start3A_243 = arith.constant 0 : i32
    %dma_start3A_244 = arith.constant 0 : i32
    %dma_start3A_245 = tpu.memref_slice %dma_start3A_242[%dma_start3A_243, %dma_start3A_244] : memref<512x64xf32, #tpu.memory_space<vmem>> -> memref<128x64xf32, #tpu.memory_space<vmem>>
    %dma_start3A_246 = arith.constant 0 : i32
    %dma_start3A_247 = arith.constant 0 : i32
    %dma_start3A_248 = tpu.memref_slice %arg5[%dma_start3A_236, %dma_start3A_246, %dma_start3A_247] : memref<2x8x128xi32, #tpu.memory_space<vmem>> -> memref<1x8x128xi32, #tpu.memory_space<vmem>>
    %dma_start3A_249 = tpu.memref_squeeze %dma_start3A_248 : memref<1x8x128xi32, #tpu.memory_space<vmem>> -> memref<8x128xi32, #tpu.memory_space<vmem>>
    %dma_start3A_250 = arith.constant 0 : i32
    %dma_start3A_251 = tpu.memref_slice %dma_start3A_249[%dma_start3A_237, %dma_start3A_250] : memref<8x128xi32, #tpu.memory_space<vmem>> -> memref<1x128xi32, #tpu.memory_space<vmem>>
    %dma_start3A_252 = tpu.memref_squeeze %dma_start3A_251 : memref<1x128xi32, #tpu.memory_space<vmem>> -> memref<128xi32, #tpu.memory_space<vmem>>
    %dma_start3A_253 = arith.constant 0 : i32
    %dma_start3A_254 = arith.constant 0 : i32
    %dma_start3A_255 = tpu.memref_slice %arg3[%dma_start3A_253, %dma_start3A_254] : memref<1000000x64xf32, #tpu.memory_space<hbm>> -> memref<1000000x64xf32, #tpu.memory_space<hbm>>
    tpu.enqueue_indirect_dma source(%dma_start3A_255 : memref<1000000x64xf32, #tpu.memory_space<hbm>>) target(%dma_start3A_245 : memref<128x64xf32, #tpu.memory_space<vmem>>) offsets(%dma_start3A_252 : memref<128xi32, #tpu.memory_space<vmem>>) semaphore(%arg7 : memref<!tpu.dma_semaphore, #tpu.memory_space<semaphore_mem>>)
    %dma_start3A_256 = arith.constant 0 : i32
    %dma_start3A_257 = arith.constant 5 : i32
    %dma_start3A_258 = arith.constant 1 : i32
    %dma_start3A_259 = arith.constant 0 : i32
    %dma_start3A_260 = arith.constant 0 : i32
    %dma_start3A_261 = tpu.memref_slice %arg6[%dma_start3A_258, %dma_start3A_259, %dma_start3A_260] : memref<2x512x64xf32, #tpu.memory_space<vmem>> -> memref<1x512x64xf32, #tpu.memory_space<vmem>>
    %dma_start3A_262 = tpu.memref_squeeze %dma_start3A_261 : memref<1x512x64xf32, #tpu.memory_space<vmem>> -> memref<512x64xf32, #tpu.memory_space<vmem>>
    %dma_start3A_263 = arith.constant 128 : i32
    %dma_start3A_264 = arith.constant 0 : i32
    %dma_start3A_265 = tpu.memref_slice %dma_start3A_262[%dma_start3A_263, %dma_start3A_264] : memref<512x64xf32, #tpu.memory_space<vmem>> -> memref<128x64xf32, #tpu.memory_space<vmem>>
    %dma_start3A_266 = arith.constant 0 : i32
    %dma_start3A_267 = arith.constant 0 : i32
    %dma_start3A_268 = tpu.memref_slice %arg5[%dma_start3A_256, %dma_start3A_266, %dma_start3A_267] : memref<2x8x128xi32, #tpu.memory_space<vmem>> -> memref<1x8x128xi32, #tpu.memory_space<vmem>>
    %dma_start3A_269 = tpu.memref_squeeze %dma_start3A_268 : memref<1x8x128xi32, #tpu.memory_space<vmem>> -> memref<8x128xi32, #tpu.memory_space<vmem>>
    %dma_start3A_270 = arith.constant 0 : i32
    %dma_start3A_271 = tpu.memref_slice %dma_start3A_269[%dma_start3A_257, %dma_start3A_270] : memref<8x128xi32, #tpu.memory_space<vmem>> -> memref<1x128xi32, #tpu.memory_space<vmem>>
    %dma_start3A_272 = tpu.memref_squeeze %dma_start3A_271 : memref<1x128xi32, #tpu.memory_space<vmem>> -> memref<128xi32, #tpu.memory_space<vmem>>
    %dma_start3A_273 = arith.constant 0 : i32
    %dma_start3A_274 = arith.constant 0 : i32
    %dma_start3A_275 = tpu.memref_slice %arg3[%dma_start3A_273, %dma_start3A_274] : memref<1000000x64xf32, #tpu.memory_space<hbm>> -> memref<1000000x64xf32, #tpu.memory_space<hbm>>
    tpu.enqueue_indirect_dma source(%dma_start3A_275 : memref<1000000x64xf32, #tpu.memory_space<hbm>>) target(%dma_start3A_265 : memref<128x64xf32, #tpu.memory_space<vmem>>) offsets(%dma_start3A_272 : memref<128xi32, #tpu.memory_space<vmem>>) semaphore(%arg7 : memref<!tpu.dma_semaphore, #tpu.memory_space<semaphore_mem>>)
    %dma_start3A_276 = arith.constant 0 : i32
    %dma_start3A_277 = arith.constant 6 : i32
    %dma_start3A_278 = arith.constant 1 : i32
    %dma_start3A_279 = arith.constant 0 : i32
    %dma_start3A_280 = arith.constant 0 : i32
    %dma_start3A_281 = tpu.memref_slice %arg6[%dma_start3A_278, %dma_start3A_279, %dma_start3A_280] : memref<2x512x64xf32, #tpu.memory_space<vmem>> -> memref<1x512x64xf32, #tpu.memory_space<vmem>>
    %dma_start3A_282 = tpu.memref_squeeze %dma_start3A_281 : memref<1x512x64xf32, #tpu.memory_space<vmem>> -> memref<512x64xf32, #tpu.memory_space<vmem>>
    %dma_start3A_283 = arith.constant 256 : i32
    %dma_start3A_284 = arith.constant 0 : i32
    %dma_start3A_285 = tpu.memref_slice %dma_start3A_282[%dma_start3A_283, %dma_start3A_284] : memref<512x64xf32, #tpu.memory_space<vmem>> -> memref<128x64xf32, #tpu.memory_space<vmem>>
    %dma_start3A_286 = arith.constant 0 : i32
    %dma_start3A_287 = arith.constant 0 : i32
    %dma_start3A_288 = tpu.memref_slice %arg5[%dma_start3A_276, %dma_start3A_286, %dma_start3A_287] : memref<2x8x128xi32, #tpu.memory_space<vmem>> -> memref<1x8x128xi32, #tpu.memory_space<vmem>>
    %dma_start3A_289 = tpu.memref_squeeze %dma_start3A_288 : memref<1x8x128xi32, #tpu.memory_space<vmem>> -> memref<8x128xi32, #tpu.memory_space<vmem>>
    %dma_start3A_290 = arith.constant 0 : i32
    %dma_start3A_291 = tpu.memref_slice %dma_start3A_289[%dma_start3A_277, %dma_start3A_290] : memref<8x128xi32, #tpu.memory_space<vmem>> -> memref<1x128xi32, #tpu.memory_space<vmem>>
    %dma_start3A_292 = tpu.memref_squeeze %dma_start3A_291 : memref<1x128xi32, #tpu.memory_space<vmem>> -> memref<128xi32, #tpu.memory_space<vmem>>
    %dma_start3A_293 = arith.constant 0 : i32
    %dma_start3A_294 = arith.constant 0 : i32
    %dma_start3A_295 = tpu.memref_slice %arg3[%dma_start3A_293, %dma_start3A_294] : memref<1000000x64xf32, #tpu.memory_space<hbm>> -> memref<1000000x64xf32, #tpu.memory_space<hbm>>
    tpu.enqueue_indirect_dma source(%dma_start3A_295 : memref<1000000x64xf32, #tpu.memory_space<hbm>>) target(%dma_start3A_285 : memref<128x64xf32, #tpu.memory_space<vmem>>) offsets(%dma_start3A_292 : memref<128xi32, #tpu.memory_space<vmem>>) semaphore(%arg7 : memref<!tpu.dma_semaphore, #tpu.memory_space<semaphore_mem>>)
    %dma_start3A_296 = arith.constant 0 : i32
    %dma_start3A_297 = arith.constant 7 : i32
    %dma_start3A_298 = arith.constant 1 : i32
    %dma_start3A_299 = arith.constant 0 : i32
    %dma_start3A_300 = arith.constant 0 : i32
    %dma_start3A_301 = tpu.memref_slice %arg6[%dma_start3A_298, %dma_start3A_299, %dma_start3A_300] : memref<2x512x64xf32, #tpu.memory_space<vmem>> -> memref<1x512x64xf32, #tpu.memory_space<vmem>>
    %dma_start3A_302 = tpu.memref_squeeze %dma_start3A_301 : memref<1x512x64xf32, #tpu.memory_space<vmem>> -> memref<512x64xf32, #tpu.memory_space<vmem>>
    %dma_start3A_303 = arith.constant 384 : i32
    %dma_start3A_304 = arith.constant 0 : i32
    %dma_start3A_305 = tpu.memref_slice %dma_start3A_302[%dma_start3A_303, %dma_start3A_304] : memref<512x64xf32, #tpu.memory_space<vmem>> -> memref<128x64xf32, #tpu.memory_space<vmem>>
    %dma_start3A_306 = arith.constant 0 : i32
    %dma_start3A_307 = arith.constant 0 : i32
    %dma_start3A_308 = tpu.memref_slice %arg5[%dma_start3A_296, %dma_start3A_306, %dma_start3A_307] : memref<2x8x128xi32, #tpu.memory_space<vmem>> -> memref<1x8x128xi32, #tpu.memory_space<vmem>>
    %dma_start3A_309 = tpu.memref_squeeze %dma_start3A_308 : memref<1x8x128xi32, #tpu.memory_space<vmem>> -> memref<8x128xi32, #tpu.memory_space<vmem>>
    %dma_start3A_310 = arith.constant 0 : i32
    %dma_start3A_311 = tpu.memref_slice %dma_start3A_309[%dma_start3A_297, %dma_start3A_310] : memref<8x128xi32, #tpu.memory_space<vmem>> -> memref<1x128xi32, #tpu.memory_space<vmem>>
    %dma_start3A_312 = tpu.memref_squeeze %dma_start3A_311 : memref<1x128xi32, #tpu.memory_space<vmem>> -> memref<128xi32, #tpu.memory_space<vmem>>
    %dma_start3A_313 = arith.constant 0 : i32
    %dma_start3A_314 = arith.constant 0 : i32
    %dma_start3A_315 = tpu.memref_slice %arg3[%dma_start3A_313, %dma_start3A_314] : memref<1000000x64xf32, #tpu.memory_space<hbm>> -> memref<1000000x64xf32, #tpu.memory_space<hbm>>
    tpu.enqueue_indirect_dma source(%dma_start3A_315 : memref<1000000x64xf32, #tpu.memory_space<hbm>>) target(%dma_start3A_305 : memref<128x64xf32, #tpu.memory_space<vmem>>) offsets(%dma_start3A_312 : memref<128xi32, #tpu.memory_space<vmem>>) semaphore(%arg7 : memref<!tpu.dma_semaphore, #tpu.memory_space<semaphore_mem>>)
    %dma_wait3A_316 = arith.constant 0 : i32
    %dma_wait3A_317 = arith.constant 4 : i32
    %dma_wait3A_318 = arith.constant 1 : i32
    %dma_wait3A_319 = arith.constant 0 : i32
    %dma_wait3A_320 = arith.constant 0 : i32
    %dma_wait3A_321 = tpu.memref_slice %arg6[%dma_wait3A_318, %dma_wait3A_319, %dma_wait3A_320] : memref<2x512x64xf32, #tpu.memory_space<vmem>> -> memref<1x512x64xf32, #tpu.memory_space<vmem>>
    %dma_wait3A_322 = tpu.memref_squeeze %dma_wait3A_321 : memref<1x512x64xf32, #tpu.memory_space<vmem>> -> memref<512x64xf32, #tpu.memory_space<vmem>>
    %dma_wait3A_323 = arith.constant 0 : i32
    %dma_wait3A_324 = arith.constant 0 : i32
    %dma_wait3A_325 = tpu.memref_slice %dma_wait3A_322[%dma_wait3A_323, %dma_wait3A_324] : memref<512x64xf32, #tpu.memory_space<vmem>> -> memref<128x64xf32, #tpu.memory_space<vmem>>
    %dma_wait3A_326 = arith.constant 0 : i32
    %dma_wait3A_327 = arith.constant 0 : i32
    %dma_wait3A_328 = tpu.memref_slice %arg5[%dma_wait3A_316, %dma_wait3A_326, %dma_wait3A_327] : memref<2x8x128xi32, #tpu.memory_space<vmem>> -> memref<1x8x128xi32, #tpu.memory_space<vmem>>
    %dma_wait3A_329 = tpu.memref_squeeze %dma_wait3A_328 : memref<1x8x128xi32, #tpu.memory_space<vmem>> -> memref<8x128xi32, #tpu.memory_space<vmem>>
    %dma_wait3A_330 = arith.constant 0 : i32
    %dma_wait3A_331 = tpu.memref_slice %dma_wait3A_329[%dma_wait3A_317, %dma_wait3A_330] : memref<8x128xi32, #tpu.memory_space<vmem>> -> memref<1x128xi32, #tpu.memory_space<vmem>>
    %dma_wait3A_332 = tpu.memref_squeeze %dma_wait3A_331 : memref<1x128xi32, #tpu.memory_space<vmem>> -> memref<128xi32, #tpu.memory_space<vmem>>
    %dma_wait3A_333 = arith.constant 0 : i32
    %dma_wait3A_334 = arith.constant 0 : i32
    %dma_wait3A_335 = tpu.memref_slice %arg3[%dma_wait3A_333, %dma_wait3A_334] : memref<1000000x64xf32, #tpu.memory_space<hbm>> -> memref<1000000x64xf32, #tpu.memory_space<hbm>>
    tpu.wait_indirect_dma semaphore(%arg7 : memref<!tpu.dma_semaphore, #tpu.memory_space<semaphore_mem>>) src(%dma_wait3A_335 : memref<1000000x64xf32, #tpu.memory_space<hbm>>) dst(%dma_wait3A_325 : memref<128x64xf32, #tpu.memory_space<vmem>>)
    %dma_wait3A_336 = arith.constant 0 : i32
    %dma_wait3A_337 = arith.constant 5 : i32
    %dma_wait3A_338 = arith.constant 1 : i32
    %dma_wait3A_339 = arith.constant 0 : i32
    %dma_wait3A_340 = arith.constant 0 : i32
    %dma_wait3A_341 = tpu.memref_slice %arg6[%dma_wait3A_338, %dma_wait3A_339, %dma_wait3A_340] : memref<2x512x64xf32, #tpu.memory_space<vmem>> -> memref<1x512x64xf32, #tpu.memory_space<vmem>>
    %dma_wait3A_342 = tpu.memref_squeeze %dma_wait3A_341 : memref<1x512x64xf32, #tpu.memory_space<vmem>> -> memref<512x64xf32, #tpu.memory_space<vmem>>
    %dma_wait3A_343 = arith.constant 128 : i32
    %dma_wait3A_344 = arith.constant 0 : i32
    %dma_wait3A_345 = tpu.memref_slice %dma_wait3A_342[%dma_wait3A_343, %dma_wait3A_344] : memref<512x64xf32, #tpu.memory_space<vmem>> -> memref<128x64xf32, #tpu.memory_space<vmem>>
    %dma_wait3A_346 = arith.constant 0 : i32
    %dma_wait3A_347 = arith.constant 0 : i32
    %dma_wait3A_348 = tpu.memref_slice %arg5[%dma_wait3A_336, %dma_wait3A_346, %dma_wait3A_347] : memref<2x8x128xi32, #tpu.memory_space<vmem>> -> memref<1x8x128xi32, #tpu.memory_space<vmem>>
    %dma_wait3A_349 = tpu.memref_squeeze %dma_wait3A_348 : memref<1x8x128xi32, #tpu.memory_space<vmem>> -> memref<8x128xi32, #tpu.memory_space<vmem>>
    %dma_wait3A_350 = arith.constant 0 : i32
    %dma_wait3A_351 = tpu.memref_slice %dma_wait3A_349[%dma_wait3A_337, %dma_wait3A_350] : memref<8x128xi32, #tpu.memory_space<vmem>> -> memref<1x128xi32, #tpu.memory_space<vmem>>
    %dma_wait3A_352 = tpu.memref_squeeze %dma_wait3A_351 : memref<1x128xi32, #tpu.memory_space<vmem>> -> memref<128xi32, #tpu.memory_space<vmem>>
    %dma_wait3A_353 = arith.constant 0 : i32
    %dma_wait3A_354 = arith.constant 0 : i32
    %dma_wait3A_355 = tpu.memref_slice %arg3[%dma_wait3A_353, %dma_wait3A_354] : memref<1000000x64xf32, #tpu.memory_space<hbm>> -> memref<1000000x64xf32, #tpu.memory_space<hbm>>
    tpu.wait_indirect_dma semaphore(%arg7 : memref<!tpu.dma_semaphore, #tpu.memory_space<semaphore_mem>>) src(%dma_wait3A_355 : memref<1000000x64xf32, #tpu.memory_space<hbm>>) dst(%dma_wait3A_345 : memref<128x64xf32, #tpu.memory_space<vmem>>)
    %dma_wait3A_356 = arith.constant 0 : i32
    %dma_wait3A_357 = arith.constant 6 : i32
    %dma_wait3A_358 = arith.constant 1 : i32
    %dma_wait3A_359 = arith.constant 0 : i32
    %dma_wait3A_360 = arith.constant 0 : i32
    %dma_wait3A_361 = tpu.memref_slice %arg6[%dma_wait3A_358, %dma_wait3A_359, %dma_wait3A_360] : memref<2x512x64xf32, #tpu.memory_space<vmem>> -> memref<1x512x64xf32, #tpu.memory_space<vmem>>
    %dma_wait3A_362 = tpu.memref_squeeze %dma_wait3A_361 : memref<1x512x64xf32, #tpu.memory_space<vmem>> -> memref<512x64xf32, #tpu.memory_space<vmem>>
    %dma_wait3A_363 = arith.constant 256 : i32
    %dma_wait3A_364 = arith.constant 0 : i32
    %dma_wait3A_365 = tpu.memref_slice %dma_wait3A_362[%dma_wait3A_363, %dma_wait3A_364] : memref<512x64xf32, #tpu.memory_space<vmem>> -> memref<128x64xf32, #tpu.memory_space<vmem>>
    %dma_wait3A_366 = arith.constant 0 : i32
    %dma_wait3A_367 = arith.constant 0 : i32
    %dma_wait3A_368 = tpu.memref_slice %arg5[%dma_wait3A_356, %dma_wait3A_366, %dma_wait3A_367] : memref<2x8x128xi32, #tpu.memory_space<vmem>> -> memref<1x8x128xi32, #tpu.memory_space<vmem>>
    %dma_wait3A_369 = tpu.memref_squeeze %dma_wait3A_368 : memref<1x8x128xi32, #tpu.memory_space<vmem>> -> memref<8x128xi32, #tpu.memory_space<vmem>>
    %dma_wait3A_370 = arith.constant 0 : i32
    %dma_wait3A_371 = tpu.memref_slice %dma_wait3A_369[%dma_wait3A_357, %dma_wait3A_370] : memref<8x128xi32, #tpu.memory_space<vmem>> -> memref<1x128xi32, #tpu.memory_space<vmem>>
    %dma_wait3A_372 = tpu.memref_squeeze %dma_wait3A_371 : memref<1x128xi32, #tpu.memory_space<vmem>> -> memref<128xi32, #tpu.memory_space<vmem>>
    %dma_wait3A_373 = arith.constant 0 : i32
    %dma_wait3A_374 = arith.constant 0 : i32
    %dma_wait3A_375 = tpu.memref_slice %arg3[%dma_wait3A_373, %dma_wait3A_374] : memref<1000000x64xf32, #tpu.memory_space<hbm>> -> memref<1000000x64xf32, #tpu.memory_space<hbm>>
    tpu.wait_indirect_dma semaphore(%arg7 : memref<!tpu.dma_semaphore, #tpu.memory_space<semaphore_mem>>) src(%dma_wait3A_375 : memref<1000000x64xf32, #tpu.memory_space<hbm>>) dst(%dma_wait3A_365 : memref<128x64xf32, #tpu.memory_space<vmem>>)
    %dma_wait3A_376 = arith.constant 0 : i32
    %dma_wait3A_377 = arith.constant 7 : i32
    %dma_wait3A_378 = arith.constant 1 : i32
    %dma_wait3A_379 = arith.constant 0 : i32
    %dma_wait3A_380 = arith.constant 0 : i32
    %dma_wait3A_381 = tpu.memref_slice %arg6[%dma_wait3A_378, %dma_wait3A_379, %dma_wait3A_380] : memref<2x512x64xf32, #tpu.memory_space<vmem>> -> memref<1x512x64xf32, #tpu.memory_space<vmem>>
    %dma_wait3A_382 = tpu.memref_squeeze %dma_wait3A_381 : memref<1x512x64xf32, #tpu.memory_space<vmem>> -> memref<512x64xf32, #tpu.memory_space<vmem>>
    %dma_wait3A_383 = arith.constant 384 : i32
    %dma_wait3A_384 = arith.constant 0 : i32
    %dma_wait3A_385 = tpu.memref_slice %dma_wait3A_382[%dma_wait3A_383, %dma_wait3A_384] : memref<512x64xf32, #tpu.memory_space<vmem>> -> memref<128x64xf32, #tpu.memory_space<vmem>>
    %dma_wait3A_386 = arith.constant 0 : i32
    %dma_wait3A_387 = arith.constant 0 : i32
    %dma_wait3A_388 = tpu.memref_slice %arg5[%dma_wait3A_376, %dma_wait3A_386, %dma_wait3A_387] : memref<2x8x128xi32, #tpu.memory_space<vmem>> -> memref<1x8x128xi32, #tpu.memory_space<vmem>>
    %dma_wait3A_389 = tpu.memref_squeeze %dma_wait3A_388 : memref<1x8x128xi32, #tpu.memory_space<vmem>> -> memref<8x128xi32, #tpu.memory_space<vmem>>
    %dma_wait3A_390 = arith.constant 0 : i32
    %dma_wait3A_391 = tpu.memref_slice %dma_wait3A_389[%dma_wait3A_377, %dma_wait3A_390] : memref<8x128xi32, #tpu.memory_space<vmem>> -> memref<1x128xi32, #tpu.memory_space<vmem>>
    %dma_wait3A_392 = tpu.memref_squeeze %dma_wait3A_391 : memref<1x128xi32, #tpu.memory_space<vmem>> -> memref<128xi32, #tpu.memory_space<vmem>>
    %dma_wait3A_393 = arith.constant 0 : i32
    %dma_wait3A_394 = arith.constant 0 : i32
    %dma_wait3A_395 = tpu.memref_slice %arg3[%dma_wait3A_393, %dma_wait3A_394] : memref<1000000x64xf32, #tpu.memory_space<hbm>> -> memref<1000000x64xf32, #tpu.memory_space<hbm>>
    tpu.wait_indirect_dma semaphore(%arg7 : memref<!tpu.dma_semaphore, #tpu.memory_space<semaphore_mem>>) src(%dma_wait3A_395 : memref<1000000x64xf32, #tpu.memory_space<hbm>>) dst(%dma_wait3A_385 : memref<128x64xf32, #tpu.memory_space<vmem>>)
    %dma_start3A_396 = arith.constant 1 : i32
    %dma_start3A_397 = arith.constant 0 : i32
    %dma_start3A_398 = arith.constant 0 : i32
    %dma_start3A_399 = tpu.memref_slice %arg6[%dma_start3A_396, %dma_start3A_397, %dma_start3A_398] : memref<2x512x64xf32, #tpu.memory_space<vmem>> -> memref<1x512x64xf32, #tpu.memory_space<vmem>>
    %dma_start3A_400 = tpu.memref_squeeze %dma_start3A_399 : memref<1x512x64xf32, #tpu.memory_space<vmem>> -> memref<512x64xf32, #tpu.memory_space<vmem>>
    %dma_start3A_401 = arith.constant 0 : i32
    %dma_start3A_402 = tpu.memref_slice %arg4[%add3A_235, %dma_start3A_401] : memref<819200x64xf32, #tpu.memory_space<hbm>> -> memref<512x64xf32, #tpu.memory_space<hbm>>
    %dma_start3A_403 = arith.constant 0 : i32
    %dma_start3A_404 = tpu.memref_slice %arg4[%add3A_235, %dma_start3A_403] : memref<819200x64xf32, #tpu.memory_space<hbm>> -> memref<512x64xf32, #tpu.memory_space<hbm>>
    %dma_start3A_405 = arith.constant 0 : i32
    %dma_start3A_406 = arith.constant 0 : i32
    %dma_start3A_407 = tpu.memref_slice %arg6[%dma_start3A_396, %dma_start3A_405, %dma_start3A_406] : memref<2x512x64xf32, #tpu.memory_space<vmem>> -> memref<1x512x64xf32, #tpu.memory_space<vmem>>
    %dma_start3A_408 = tpu.memref_squeeze %dma_start3A_407 : memref<1x512x64xf32, #tpu.memory_space<vmem>> -> memref<512x64xf32, #tpu.memory_space<vmem>>
    tpu.enqueue_dma source(%dma_start3A_408 : memref<512x64xf32, #tpu.memory_space<vmem>>) target(%dma_start3A_404 : memref<512x64xf32, #tpu.memory_space<hbm>>) target_semaphore(%arg9 : memref<!tpu.dma_semaphore, #tpu.memory_space<semaphore_mem>>)
    %scan3A = arith.constant 0 : i32
    %scan3A_409 = arith.constant 1 : i32
    %scan3A_410 = arith.constant 24 : i32
    %scan3A_411 = arith.addi %scan3A_409, %scan3A_410 : i32
    %scan3A_412 = arith.constant 1 : i32
    scf.for %scan3A_464 = %scan3A_409 to %scan3A_411 step %scan3A_412  : i32 {
      %mul3A_465 = arith.constant 8 : i32
      %mul3A_466 = arith.muli %scan3A_464, %mul3A_465 : i32
      %add3A_467 = arith.addi %mul3A_4, %mul3A_466 : i32
      %min3A_468 = arith.constant 6392 : i32
      %min3A_469 = arith.minsi %add3A_467, %min3A_468 : i32
      %multiple_of3A_470 = tpu.assume_multiple %min3A_469, 8 : i32
      %jit3A = arith.constant 2 : i32
      %eq3A = arith.constant 0 : i32
      %eq3A_471 = arith.cmpi eq, %jit3A, %eq3A : i32
      %jit3A_472 = arith.constant 1 : i32
      %select_n3A = arith.select %eq3A_471, %jit3A_472, %jit3A : i32
      %rem3A = arith.remsi %scan3A_464, %select_n3A : i32
      %ne3A = arith.constant 0 : i32
      %ne3A_473 = arith.cmpi ne, %rem3A, %ne3A : i32
      %lt3A = arith.constant 0 : i32
      %lt3A_474 = arith.cmpi slt, %rem3A, %lt3A : i32
      %lt3A_475 = arith.constant 0 : i32
      %lt3A_476 = arith.cmpi slt, %select_n3A, %lt3A_475 : i32
      %ne3A_477 = arith.xori %lt3A_474, %lt3A_476 : i1
      %and3A = arith.andi %ne3A_477, %ne3A_473 : i1
      %add3A_478 = arith.addi %rem3A, %select_n3A : i32
      %select_n3A_479 = arith.select %and3A, %add3A_478, %rem3A : i32
      %dma_wait3A_480 = arith.constant 0 : i32
      %dma_wait3A_481 = arith.constant 0 : i32
      %dma_wait3A_482 = tpu.memref_slice %arg5[%select_n3A_479, %dma_wait3A_480, %dma_wait3A_481] : memref<2x8x128xi32, #tpu.memory_space<vmem>> -> memref<1x8x128xi32, #tpu.memory_space<vmem>>
      %dma_wait3A_483 = tpu.memref_squeeze %dma_wait3A_482 : memref<1x8x128xi32, #tpu.memory_space<vmem>> -> memref<8x128xi32, #tpu.memory_space<vmem>>
      %dma_wait3A_484 = arith.constant 0 : i32
      %dma_wait3A_485 = tpu.memref_slice %arg2[%multiple_of3A_470, %dma_wait3A_484] : memref<6400x128xi32, #tpu.memory_space<hbm>> -> memref<8x128xi32, #tpu.memory_space<hbm>>
      %dma_wait3A_486 = arith.constant 0 : i32
      %dma_wait3A_487 = arith.constant 0 : i32
      %dma_wait3A_488 = tpu.memref_slice %arg5[%select_n3A_479, %dma_wait3A_486, %dma_wait3A_487] : memref<2x8x128xi32, #tpu.memory_space<vmem>> -> memref<1x8x128xi32, #tpu.memory_space<vmem>>
      %dma_wait3A_489 = tpu.memref_squeeze %dma_wait3A_488 : memref<1x8x128xi32, #tpu.memory_space<vmem>> -> memref<8x128xi32, #tpu.memory_space<vmem>>
      %dma_wait3A_490 = arith.constant 0 : i32
      %dma_wait3A_491 = tpu.memref_slice %arg2[%multiple_of3A_470, %dma_wait3A_490] : memref<6400x128xi32, #tpu.memory_space<hbm>> -> memref<8x128xi32, #tpu.memory_space<hbm>>
      tpu.wait_dma2 semaphore(%arg10 : memref<!tpu.dma_semaphore, #tpu.memory_space<semaphore_mem>>) src(%dma_wait3A_491 : memref<8x128xi32, #tpu.memory_space<hbm>>) dst(%dma_wait3A_489 : memref<8x128xi32, #tpu.memory_space<vmem>>)
      %mul3A_492 = arith.constant 1024 : i32
      %mul3A_493 = arith.muli %scan3A_464, %mul3A_492 : i32
      %add3A_494 = arith.addi %mul3A_2, %mul3A_493 : i32
      %add3A_495 = arith.constant 0 : i32
      %add3A_496 = arith.addi %add3A_494, %add3A_495 : i32
      %dma_wait3A_497 = arith.constant 0 : i32
      %dma_wait3A_498 = arith.constant 0 : i32
      %dma_wait3A_499 = arith.constant 0 : i32
      %dma_wait3A_500 = tpu.memref_slice %arg6[%dma_wait3A_497, %dma_wait3A_498, %dma_wait3A_499] : memref<2x512x64xf32, #tpu.memory_space<vmem>> -> memref<1x512x64xf32, #tpu.memory_space<vmem>>
      %dma_wait3A_501 = tpu.memref_squeeze %dma_wait3A_500 : memref<1x512x64xf32, #tpu.memory_space<vmem>> -> memref<512x64xf32, #tpu.memory_space<vmem>>
      %dma_wait3A_502 = arith.constant 0 : i32
      %dma_wait3A_503 = tpu.memref_slice %arg4[%add3A_496, %dma_wait3A_502] : memref<819200x64xf32, #tpu.memory_space<hbm>> -> memref<512x64xf32, #tpu.memory_space<hbm>>
      %dma_wait3A_504 = arith.constant 0 : i32
      %dma_wait3A_505 = tpu.memref_slice %arg4[%add3A_496, %dma_wait3A_504] : memref<819200x64xf32, #tpu.memory_space<hbm>> -> memref<512x64xf32, #tpu.memory_space<hbm>>
      %dma_wait3A_506 = arith.constant 0 : i32
      %dma_wait3A_507 = arith.constant 0 : i32
      %dma_wait3A_508 = tpu.memref_slice %arg6[%dma_wait3A_497, %dma_wait3A_506, %dma_wait3A_507] : memref<2x512x64xf32, #tpu.memory_space<vmem>> -> memref<1x512x64xf32, #tpu.memory_space<vmem>>
      %dma_wait3A_509 = tpu.memref_squeeze %dma_wait3A_508 : memref<1x512x64xf32, #tpu.memory_space<vmem>> -> memref<512x64xf32, #tpu.memory_space<vmem>>
      tpu.wait_dma2 semaphore(%arg8 : memref<!tpu.dma_semaphore, #tpu.memory_space<semaphore_mem>>) src(%dma_wait3A_509 : memref<512x64xf32, #tpu.memory_space<vmem>>) dst(%dma_wait3A_505 : memref<512x64xf32, #tpu.memory_space<hbm>>)
      %jit3A_510 = arith.constant 2 : i32
      %eq3A_511 = arith.constant 0 : i32
      %eq3A_512 = arith.cmpi eq, %jit3A_510, %eq3A_511 : i32
      %jit3A_513 = arith.constant 1 : i32
      %select_n3A_514 = arith.select %eq3A_512, %jit3A_513, %jit3A_510 : i32
      %rem3A_515 = arith.remsi %scan3A_464, %select_n3A_514 : i32
      %ne3A_516 = arith.constant 0 : i32
      %ne3A_517 = arith.cmpi ne, %rem3A_515, %ne3A_516 : i32
      %lt3A_518 = arith.constant 0 : i32
      %lt3A_519 = arith.cmpi slt, %rem3A_515, %lt3A_518 : i32
      %lt3A_520 = arith.constant 0 : i32
      %lt3A_521 = arith.cmpi slt, %select_n3A_514, %lt3A_520 : i32
      %ne3A_522 = arith.xori %lt3A_519, %lt3A_521 : i1
      %and3A_523 = arith.andi %ne3A_522, %ne3A_517 : i1
      %add3A_524 = arith.addi %rem3A_515, %select_n3A_514 : i32
      %select_n3A_525 = arith.select %and3A_523, %add3A_524, %rem3A_515 : i32
      %dma_start3A_526 = arith.constant 0 : i32
      %dma_start3A_527 = arith.constant 0 : i32
      %dma_start3A_528 = arith.constant 0 : i32
      %dma_start3A_529 = arith.constant 0 : i32
      %dma_start3A_530 = tpu.memref_slice %arg6[%dma_start3A_527, %dma_start3A_528, %dma_start3A_529] : memref<2x512x64xf32, #tpu.memory_space<vmem>> -> memref<1x512x64xf32, #tpu.memory_space<vmem>>
      %dma_start3A_531 = tpu.memref_squeeze %dma_start3A_530 : memref<1x512x64xf32, #tpu.memory_space<vmem>> -> memref<512x64xf32, #tpu.memory_space<vmem>>
      %dma_start3A_532 = arith.constant 0 : i32
      %dma_start3A_533 = arith.constant 0 : i32
      %dma_start3A_534 = tpu.memref_slice %dma_start3A_531[%dma_start3A_532, %dma_start3A_533] : memref<512x64xf32, #tpu.memory_space<vmem>> -> memref<128x64xf32, #tpu.memory_space<vmem>>
      %dma_start3A_535 = arith.constant 0 : i32
      %dma_start3A_536 = arith.constant 0 : i32
      %dma_start3A_537 = tpu.memref_slice %arg5[%select_n3A_525, %dma_start3A_535, %dma_start3A_536] : memref<2x8x128xi32, #tpu.memory_space<vmem>> -> memref<1x8x128xi32, #tpu.memory_space<vmem>>
      %dma_start3A_538 = tpu.memref_squeeze %dma_start3A_537 : memref<1x8x128xi32, #tpu.memory_space<vmem>> -> memref<8x128xi32, #tpu.memory_space<vmem>>
      %dma_start3A_539 = arith.constant 0 : i32
      %dma_start3A_540 = tpu.memref_slice %dma_start3A_538[%dma_start3A_526, %dma_start3A_539] : memref<8x128xi32, #tpu.memory_space<vmem>> -> memref<1x128xi32, #tpu.memory_space<vmem>>
      %dma_start3A_541 = tpu.memref_squeeze %dma_start3A_540 : memref<1x128xi32, #tpu.memory_space<vmem>> -> memref<128xi32, #tpu.memory_space<vmem>>
      %dma_start3A_542 = arith.constant 0 : i32
      %dma_start3A_543 = arith.constant 0 : i32
      %dma_start3A_544 = tpu.memref_slice %arg3[%dma_start3A_542, %dma_start3A_543] : memref<1000000x64xf32, #tpu.memory_space<hbm>> -> memref<1000000x64xf32, #tpu.memory_space<hbm>>
      tpu.enqueue_indirect_dma source(%dma_start3A_544 : memref<1000000x64xf32, #tpu.memory_space<hbm>>) target(%dma_start3A_534 : memref<128x64xf32, #tpu.memory_space<vmem>>) offsets(%dma_start3A_541 : memref<128xi32, #tpu.memory_space<vmem>>) semaphore(%arg7 : memref<!tpu.dma_semaphore, #tpu.memory_space<semaphore_mem>>)
      %jit3A_545 = arith.constant 2 : i32
      %eq3A_546 = arith.constant 0 : i32
      %eq3A_547 = arith.cmpi eq, %jit3A_545, %eq3A_546 : i32
      %jit3A_548 = arith.constant 1 : i32
      %select_n3A_549 = arith.select %eq3A_547, %jit3A_548, %jit3A_545 : i32
      %rem3A_550 = arith.remsi %scan3A_464, %select_n3A_549 : i32
      %ne3A_551 = arith.constant 0 : i32
      %ne3A_552 = arith.cmpi ne, %rem3A_550, %ne3A_551 : i32
      %lt3A_553 = arith.constant 0 : i32
      %lt3A_554 = arith.cmpi slt, %rem3A_550, %lt3A_553 : i32
      %lt3A_555 = arith.constant 0 : i32
      %lt3A_556 = arith.cmpi slt, %select_n3A_549, %lt3A_555 : i32
      %ne3A_557 = arith.xori %lt3A_554, %lt3A_556 : i1
      %and3A_558 = arith.andi %ne3A_557, %ne3A_552 : i1
      %add3A_559 = arith.addi %rem3A_550, %select_n3A_549 : i32
      %select_n3A_560 = arith.select %and3A_558, %add3A_559, %rem3A_550 : i32
      %dma_start3A_561 = arith.constant 1 : i32
      %dma_start3A_562 = arith.constant 0 : i32
      %dma_start3A_563 = arith.constant 0 : i32
      %dma_start3A_564 = arith.constant 0 : i32
      %dma_start3A_565 = tpu.memref_slice %arg6[%dma_start3A_562, %dma_start3A_563, %dma_start3A_564] : memref<2x512x64xf32, #tpu.memory_space<vmem>> -> memref<1x512x64xf32, #tpu.memory_space<vmem>>
      %dma_start3A_566 = tpu.memref_squeeze %dma_start3A_565 : memref<1x512x64xf32, #tpu.memory_space<vmem>> -> memref<512x64xf32, #tpu.memory_space<vmem>>
      %dma_start3A_567 = arith.constant 128 : i32
      %dma_start3A_568 = arith.constant 0 : i32
      %dma_start3A_569 = tpu.memref_slice %dma_start3A_566[%dma_start3A_567, %dma_start3A_568] : memref<512x64xf32, #tpu.memory_space<vmem>> -> memref<128x64xf32, #tpu.memory_space<vmem>>
      %dma_start3A_570 = arith.constant 0 : i32
      %dma_start3A_571 = arith.constant 0 : i32
      %dma_start3A_572 = tpu.memref_slice %arg5[%select_n3A_560, %dma_start3A_570, %dma_start3A_571] : memref<2x8x128xi32, #tpu.memory_space<vmem>> -> memref<1x8x128xi32, #tpu.memory_space<vmem>>
      %dma_start3A_573 = tpu.memref_squeeze %dma_start3A_572 : memref<1x8x128xi32, #tpu.memory_space<vmem>> -> memref<8x128xi32, #tpu.memory_space<vmem>>
      %dma_start3A_574 = arith.constant 0 : i32
      %dma_start3A_575 = tpu.memref_slice %dma_start3A_573[%dma_start3A_561, %dma_start3A_574] : memref<8x128xi32, #tpu.memory_space<vmem>> -> memref<1x128xi32, #tpu.memory_space<vmem>>
      %dma_start3A_576 = tpu.memref_squeeze %dma_start3A_575 : memref<1x128xi32, #tpu.memory_space<vmem>> -> memref<128xi32, #tpu.memory_space<vmem>>
      %dma_start3A_577 = arith.constant 0 : i32
      %dma_start3A_578 = arith.constant 0 : i32
      %dma_start3A_579 = tpu.memref_slice %arg3[%dma_start3A_577, %dma_start3A_578] : memref<1000000x64xf32, #tpu.memory_space<hbm>> -> memref<1000000x64xf32, #tpu.memory_space<hbm>>
      tpu.enqueue_indirect_dma source(%dma_start3A_579 : memref<1000000x64xf32, #tpu.memory_space<hbm>>) target(%dma_start3A_569 : memref<128x64xf32, #tpu.memory_space<vmem>>) offsets(%dma_start3A_576 : memref<128xi32, #tpu.memory_space<vmem>>) semaphore(%arg7 : memref<!tpu.dma_semaphore, #tpu.memory_space<semaphore_mem>>)
      %jit3A_580 = arith.constant 2 : i32
      %eq3A_581 = arith.constant 0 : i32
      %eq3A_582 = arith.cmpi eq, %jit3A_580, %eq3A_581 : i32
      %jit3A_583 = arith.constant 1 : i32
      %select_n3A_584 = arith.select %eq3A_582, %jit3A_583, %jit3A_580 : i32
      %rem3A_585 = arith.remsi %scan3A_464, %select_n3A_584 : i32
      %ne3A_586 = arith.constant 0 : i32
      %ne3A_587 = arith.cmpi ne, %rem3A_585, %ne3A_586 : i32
      %lt3A_588 = arith.constant 0 : i32
      %lt3A_589 = arith.cmpi slt, %rem3A_585, %lt3A_588 : i32
      %lt3A_590 = arith.constant 0 : i32
      %lt3A_591 = arith.cmpi slt, %select_n3A_584, %lt3A_590 : i32
      %ne3A_592 = arith.xori %lt3A_589, %lt3A_591 : i1
      %and3A_593 = arith.andi %ne3A_592, %ne3A_587 : i1
      %add3A_594 = arith.addi %rem3A_585, %select_n3A_584 : i32
      %select_n3A_595 = arith.select %and3A_593, %add3A_594, %rem3A_585 : i32
      %dma_start3A_596 = arith.constant 2 : i32
      %dma_start3A_597 = arith.constant 0 : i32
      %dma_start3A_598 = arith.constant 0 : i32
      %dma_start3A_599 = arith.constant 0 : i32
      %dma_start3A_600 = tpu.memref_slice %arg6[%dma_start3A_597, %dma_start3A_598, %dma_start3A_599] : memref<2x512x64xf32, #tpu.memory_space<vmem>> -> memref<1x512x64xf32, #tpu.memory_space<vmem>>
      %dma_start3A_601 = tpu.memref_squeeze %dma_start3A_600 : memref<1x512x64xf32, #tpu.memory_space<vmem>> -> memref<512x64xf32, #tpu.memory_space<vmem>>
      %dma_start3A_602 = arith.constant 256 : i32
      %dma_start3A_603 = arith.constant 0 : i32
      %dma_start3A_604 = tpu.memref_slice %dma_start3A_601[%dma_start3A_602, %dma_start3A_603] : memref<512x64xf32, #tpu.memory_space<vmem>> -> memref<128x64xf32, #tpu.memory_space<vmem>>
      %dma_start3A_605 = arith.constant 0 : i32
      %dma_start3A_606 = arith.constant 0 : i32
      %dma_start3A_607 = tpu.memref_slice %arg5[%select_n3A_595, %dma_start3A_605, %dma_start3A_606] : memref<2x8x128xi32, #tpu.memory_space<vmem>> -> memref<1x8x128xi32, #tpu.memory_space<vmem>>
      %dma_start3A_608 = tpu.memref_squeeze %dma_start3A_607 : memref<1x8x128xi32, #tpu.memory_space<vmem>> -> memref<8x128xi32, #tpu.memory_space<vmem>>
      %dma_start3A_609 = arith.constant 0 : i32
      %dma_start3A_610 = tpu.memref_slice %dma_start3A_608[%dma_start3A_596, %dma_start3A_609] : memref<8x128xi32, #tpu.memory_space<vmem>> -> memref<1x128xi32, #tpu.memory_space<vmem>>
      %dma_start3A_611 = tpu.memref_squeeze %dma_start3A_610 : memref<1x128xi32, #tpu.memory_space<vmem>> -> memref<128xi32, #tpu.memory_space<vmem>>
      %dma_start3A_612 = arith.constant 0 : i32
      %dma_start3A_613 = arith.constant 0 : i32
      %dma_start3A_614 = tpu.memref_slice %arg3[%dma_start3A_612, %dma_start3A_613] : memref<1000000x64xf32, #tpu.memory_space<hbm>> -> memref<1000000x64xf32, #tpu.memory_space<hbm>>
      tpu.enqueue_indirect_dma source(%dma_start3A_614 : memref<1000000x64xf32, #tpu.memory_space<hbm>>) target(%dma_start3A_604 : memref<128x64xf32, #tpu.memory_space<vmem>>) offsets(%dma_start3A_611 : memref<128xi32, #tpu.memory_space<vmem>>) semaphore(%arg7 : memref<!tpu.dma_semaphore, #tpu.memory_space<semaphore_mem>>)
      %jit3A_615 = arith.constant 2 : i32
      %eq3A_616 = arith.constant 0 : i32
      %eq3A_617 = arith.cmpi eq, %jit3A_615, %eq3A_616 : i32
      %jit3A_618 = arith.constant 1 : i32
      %select_n3A_619 = arith.select %eq3A_617, %jit3A_618, %jit3A_615 : i32
      %rem3A_620 = arith.remsi %scan3A_464, %select_n3A_619 : i32
      %ne3A_621 = arith.constant 0 : i32
      %ne3A_622 = arith.cmpi ne, %rem3A_620, %ne3A_621 : i32
      %lt3A_623 = arith.constant 0 : i32
      %lt3A_624 = arith.cmpi slt, %rem3A_620, %lt3A_623 : i32
      %lt3A_625 = arith.constant 0 : i32
      %lt3A_626 = arith.cmpi slt, %select_n3A_619, %lt3A_625 : i32
      %ne3A_627 = arith.xori %lt3A_624, %lt3A_626 : i1
      %and3A_628 = arith.andi %ne3A_627, %ne3A_622 : i1
      %add3A_629 = arith.addi %rem3A_620, %select_n3A_619 : i32
      %select_n3A_630 = arith.select %and3A_628, %add3A_629, %rem3A_620 : i32
      %dma_start3A_631 = arith.constant 3 : i32
      %dma_start3A_632 = arith.constant 0 : i32
      %dma_start3A_633 = arith.constant 0 : i32
      %dma_start3A_634 = arith.constant 0 : i32
      %dma_start3A_635 = tpu.memref_slice %arg6[%dma_start3A_632, %dma_start3A_633, %dma_start3A_634] : memref<2x512x64xf32, #tpu.memory_space<vmem>> -> memref<1x512x64xf32, #tpu.memory_space<vmem>>
      %dma_start3A_636 = tpu.memref_squeeze %dma_start3A_635 : memref<1x512x64xf32, #tpu.memory_space<vmem>> -> memref<512x64xf32, #tpu.memory_space<vmem>>
      %dma_start3A_637 = arith.constant 384 : i32
      %dma_start3A_638 = arith.constant 0 : i32
      %dma_start3A_639 = tpu.memref_slice %dma_start3A_636[%dma_start3A_637, %dma_start3A_638] : memref<512x64xf32, #tpu.memory_space<vmem>> -> memref<128x64xf32, #tpu.memory_space<vmem>>
      %dma_start3A_640 = arith.constant 0 : i32
      %dma_start3A_641 = arith.constant 0 : i32
      %dma_start3A_642 = tpu.memref_slice %arg5[%select_n3A_630, %dma_start3A_640, %dma_start3A_641] : memref<2x8x128xi32, #tpu.memory_space<vmem>> -> memref<1x8x128xi32, #tpu.memory_space<vmem>>
      %dma_start3A_643 = tpu.memref_squeeze %dma_start3A_642 : memref<1x8x128xi32, #tpu.memory_space<vmem>> -> memref<8x128xi32, #tpu.memory_space<vmem>>
      %dma_start3A_644 = arith.constant 0 : i32
      %dma_start3A_645 = tpu.memref_slice %dma_start3A_643[%dma_start3A_631, %dma_start3A_644] : memref<8x128xi32, #tpu.memory_space<vmem>> -> memref<1x128xi32, #tpu.memory_space<vmem>>
      %dma_start3A_646 = tpu.memref_squeeze %dma_start3A_645 : memref<1x128xi32, #tpu.memory_space<vmem>> -> memref<128xi32, #tpu.memory_space<vmem>>
      %dma_start3A_647 = arith.constant 0 : i32
      %dma_start3A_648 = arith.constant 0 : i32
      %dma_start3A_649 = tpu.memref_slice %arg3[%dma_start3A_647, %dma_start3A_648] : memref<1000000x64xf32, #tpu.memory_space<hbm>> -> memref<1000000x64xf32, #tpu.memory_space<hbm>>
      tpu.enqueue_indirect_dma source(%dma_start3A_649 : memref<1000000x64xf32, #tpu.memory_space<hbm>>) target(%dma_start3A_639 : memref<128x64xf32, #tpu.memory_space<vmem>>) offsets(%dma_start3A_646 : memref<128xi32, #tpu.memory_space<vmem>>) semaphore(%arg7 : memref<!tpu.dma_semaphore, #tpu.memory_space<semaphore_mem>>)
      %add3A_650 = arith.constant 1 : i32
      %add3A_651 = arith.addi %scan3A_464, %add3A_650 : i32
      %mul3A_652 = arith.constant 8 : i32
      %mul3A_653 = arith.muli %add3A_651, %mul3A_652 : i32
      %add3A_654 = arith.addi %mul3A_4, %mul3A_653 : i32
      %min3A_655 = arith.constant 6392 : i32
      %min3A_656 = arith.minsi %add3A_654, %min3A_655 : i32
      %multiple_of3A_657 = tpu.assume_multiple %min3A_656, 8 : i32
      %jit3A_658 = arith.constant 2 : i32
      %eq3A_659 = arith.constant 0 : i32
      %eq3A_660 = arith.cmpi eq, %jit3A_658, %eq3A_659 : i32
      %jit3A_661 = arith.constant 1 : i32
      %select_n3A_662 = arith.select %eq3A_660, %jit3A_661, %jit3A_658 : i32
      %rem3A_663 = arith.remsi %add3A_651, %select_n3A_662 : i32
      %ne3A_664 = arith.constant 0 : i32
      %ne3A_665 = arith.cmpi ne, %rem3A_663, %ne3A_664 : i32
      %lt3A_666 = arith.constant 0 : i32
      %lt3A_667 = arith.cmpi slt, %rem3A_663, %lt3A_666 : i32
      %lt3A_668 = arith.constant 0 : i32
      %lt3A_669 = arith.cmpi slt, %select_n3A_662, %lt3A_668 : i32
      %ne3A_670 = arith.xori %lt3A_667, %lt3A_669 : i1
      %and3A_671 = arith.andi %ne3A_670, %ne3A_665 : i1
      %add3A_672 = arith.addi %rem3A_663, %select_n3A_662 : i32
      %select_n3A_673 = arith.select %and3A_671, %add3A_672, %rem3A_663 : i32
      %dma_start3A_674 = arith.constant 0 : i32
      %dma_start3A_675 = arith.constant 0 : i32
      %dma_start3A_676 = tpu.memref_slice %arg5[%select_n3A_673, %dma_start3A_674, %dma_start3A_675] : memref<2x8x128xi32, #tpu.memory_space<vmem>> -> memref<1x8x128xi32, #tpu.memory_space<vmem>>
      %dma_start3A_677 = tpu.memref_squeeze %dma_start3A_676 : memref<1x8x128xi32, #tpu.memory_space<vmem>> -> memref<8x128xi32, #tpu.memory_space<vmem>>
      %dma_start3A_678 = arith.constant 0 : i32
      %dma_start3A_679 = tpu.memref_slice %arg2[%multiple_of3A_657, %dma_start3A_678] : memref<6400x128xi32, #tpu.memory_space<hbm>> -> memref<8x128xi32, #tpu.memory_space<hbm>>
      %dma_start3A_680 = arith.constant 0 : i32
      %dma_start3A_681 = arith.constant 0 : i32
      %dma_start3A_682 = tpu.memref_slice %arg5[%select_n3A_673, %dma_start3A_680, %dma_start3A_681] : memref<2x8x128xi32, #tpu.memory_space<vmem>> -> memref<1x8x128xi32, #tpu.memory_space<vmem>>
      %dma_start3A_683 = tpu.memref_squeeze %dma_start3A_682 : memref<1x8x128xi32, #tpu.memory_space<vmem>> -> memref<8x128xi32, #tpu.memory_space<vmem>>
      %dma_start3A_684 = arith.constant 0 : i32
      %dma_start3A_685 = tpu.memref_slice %arg2[%multiple_of3A_657, %dma_start3A_684] : memref<6400x128xi32, #tpu.memory_space<hbm>> -> memref<8x128xi32, #tpu.memory_space<hbm>>
      tpu.enqueue_dma source(%dma_start3A_685 : memref<8x128xi32, #tpu.memory_space<hbm>>) target(%dma_start3A_683 : memref<8x128xi32, #tpu.memory_space<vmem>>) target_semaphore(%arg10 : memref<!tpu.dma_semaphore, #tpu.memory_space<semaphore_mem>>)
      %dma_wait3A_686 = arith.constant 0 : i32
      %dma_wait3A_687 = arith.constant 0 : i32
      %dma_wait3A_688 = arith.constant 0 : i32
      %dma_wait3A_689 = arith.constant 0 : i32
      %dma_wait3A_690 = tpu.memref_slice %arg6[%dma_wait3A_687, %dma_wait3A_688, %dma_wait3A_689] : memref<2x512x64xf32, #tpu.memory_space<vmem>> -> memref<1x512x64xf32, #tpu.memory_space<vmem>>
      %dma_wait3A_691 = tpu.memref_squeeze %dma_wait3A_690 : memref<1x512x64xf32, #tpu.memory_space<vmem>> -> memref<512x64xf32, #tpu.memory_space<vmem>>
      %dma_wait3A_692 = arith.constant 0 : i32
      %dma_wait3A_693 = arith.constant 0 : i32
      %dma_wait3A_694 = tpu.memref_slice %dma_wait3A_691[%dma_wait3A_692, %dma_wait3A_693] : memref<512x64xf32, #tpu.memory_space<vmem>> -> memref<128x64xf32, #tpu.memory_space<vmem>>
      %dma_wait3A_695 = arith.constant 0 : i32
      %dma_wait3A_696 = arith.constant 0 : i32
      %dma_wait3A_697 = tpu.memref_slice %arg5[%select_n3A_525, %dma_wait3A_695, %dma_wait3A_696] : memref<2x8x128xi32, #tpu.memory_space<vmem>> -> memref<1x8x128xi32, #tpu.memory_space<vmem>>
      %dma_wait3A_698 = tpu.memref_squeeze %dma_wait3A_697 : memref<1x8x128xi32, #tpu.memory_space<vmem>> -> memref<8x128xi32, #tpu.memory_space<vmem>>
      %dma_wait3A_699 = arith.constant 0 : i32
      %dma_wait3A_700 = tpu.memref_slice %dma_wait3A_698[%dma_wait3A_686, %dma_wait3A_699] : memref<8x128xi32, #tpu.memory_space<vmem>> -> memref<1x128xi32, #tpu.memory_space<vmem>>
      %dma_wait3A_701 = tpu.memref_squeeze %dma_wait3A_700 : memref<1x128xi32, #tpu.memory_space<vmem>> -> memref<128xi32, #tpu.memory_space<vmem>>
      %dma_wait3A_702 = arith.constant 0 : i32
      %dma_wait3A_703 = arith.constant 0 : i32
      %dma_wait3A_704 = tpu.memref_slice %arg3[%dma_wait3A_702, %dma_wait3A_703] : memref<1000000x64xf32, #tpu.memory_space<hbm>> -> memref<1000000x64xf32, #tpu.memory_space<hbm>>
      tpu.wait_indirect_dma semaphore(%arg7 : memref<!tpu.dma_semaphore, #tpu.memory_space<semaphore_mem>>) src(%dma_wait3A_704 : memref<1000000x64xf32, #tpu.memory_space<hbm>>) dst(%dma_wait3A_694 : memref<128x64xf32, #tpu.memory_space<vmem>>)
      %dma_wait3A_705 = arith.constant 1 : i32
      %dma_wait3A_706 = arith.constant 0 : i32
      %dma_wait3A_707 = arith.constant 0 : i32
      %dma_wait3A_708 = arith.constant 0 : i32
      %dma_wait3A_709 = tpu.memref_slice %arg6[%dma_wait3A_706, %dma_wait3A_707, %dma_wait3A_708] : memref<2x512x64xf32, #tpu.memory_space<vmem>> -> memref<1x512x64xf32, #tpu.memory_space<vmem>>
      %dma_wait3A_710 = tpu.memref_squeeze %dma_wait3A_709 : memref<1x512x64xf32, #tpu.memory_space<vmem>> -> memref<512x64xf32, #tpu.memory_space<vmem>>
      %dma_wait3A_711 = arith.constant 128 : i32
      %dma_wait3A_712 = arith.constant 0 : i32
      %dma_wait3A_713 = tpu.memref_slice %dma_wait3A_710[%dma_wait3A_711, %dma_wait3A_712] : memref<512x64xf32, #tpu.memory_space<vmem>> -> memref<128x64xf32, #tpu.memory_space<vmem>>
      %dma_wait3A_714 = arith.constant 0 : i32
      %dma_wait3A_715 = arith.constant 0 : i32
      %dma_wait3A_716 = tpu.memref_slice %arg5[%select_n3A_560, %dma_wait3A_714, %dma_wait3A_715] : memref<2x8x128xi32, #tpu.memory_space<vmem>> -> memref<1x8x128xi32, #tpu.memory_space<vmem>>
      %dma_wait3A_717 = tpu.memref_squeeze %dma_wait3A_716 : memref<1x8x128xi32, #tpu.memory_space<vmem>> -> memref<8x128xi32, #tpu.memory_space<vmem>>
      %dma_wait3A_718 = arith.constant 0 : i32
      %dma_wait3A_719 = tpu.memref_slice %dma_wait3A_717[%dma_wait3A_705, %dma_wait3A_718] : memref<8x128xi32, #tpu.memory_space<vmem>> -> memref<1x128xi32, #tpu.memory_space<vmem>>
      %dma_wait3A_720 = tpu.memref_squeeze %dma_wait3A_719 : memref<1x128xi32, #tpu.memory_space<vmem>> -> memref<128xi32, #tpu.memory_space<vmem>>
      %dma_wait3A_721 = arith.constant 0 : i32
      %dma_wait3A_722 = arith.constant 0 : i32
      %dma_wait3A_723 = tpu.memref_slice %arg3[%dma_wait3A_721, %dma_wait3A_722] : memref<1000000x64xf32, #tpu.memory_space<hbm>> -> memref<1000000x64xf32, #tpu.memory_space<hbm>>
      tpu.wait_indirect_dma semaphore(%arg7 : memref<!tpu.dma_semaphore, #tpu.memory_space<semaphore_mem>>) src(%dma_wait3A_723 : memref<1000000x64xf32, #tpu.memory_space<hbm>>) dst(%dma_wait3A_713 : memref<128x64xf32, #tpu.memory_space<vmem>>)
      %dma_wait3A_724 = arith.constant 2 : i32
      %dma_wait3A_725 = arith.constant 0 : i32
      %dma_wait3A_726 = arith.constant 0 : i32
      %dma_wait3A_727 = arith.constant 0 : i32
      %dma_wait3A_728 = tpu.memref_slice %arg6[%dma_wait3A_725, %dma_wait3A_726, %dma_wait3A_727] : memref<2x512x64xf32, #tpu.memory_space<vmem>> -> memref<1x512x64xf32, #tpu.memory_space<vmem>>
      %dma_wait3A_729 = tpu.memref_squeeze %dma_wait3A_728 : memref<1x512x64xf32, #tpu.memory_space<vmem>> -> memref<512x64xf32, #tpu.memory_space<vmem>>
      %dma_wait3A_730 = arith.constant 256 : i32
      %dma_wait3A_731 = arith.constant 0 : i32
      %dma_wait3A_732 = tpu.memref_slice %dma_wait3A_729[%dma_wait3A_730, %dma_wait3A_731] : memref<512x64xf32, #tpu.memory_space<vmem>> -> memref<128x64xf32, #tpu.memory_space<vmem>>
      %dma_wait3A_733 = arith.constant 0 : i32
      %dma_wait3A_734 = arith.constant 0 : i32
      %dma_wait3A_735 = tpu.memref_slice %arg5[%select_n3A_595, %dma_wait3A_733, %dma_wait3A_734] : memref<2x8x128xi32, #tpu.memory_space<vmem>> -> memref<1x8x128xi32, #tpu.memory_space<vmem>>
      %dma_wait3A_736 = tpu.memref_squeeze %dma_wait3A_735 : memref<1x8x128xi32, #tpu.memory_space<vmem>> -> memref<8x128xi32, #tpu.memory_space<vmem>>
      %dma_wait3A_737 = arith.constant 0 : i32
      %dma_wait3A_738 = tpu.memref_slice %dma_wait3A_736[%dma_wait3A_724, %dma_wait3A_737] : memref<8x128xi32, #tpu.memory_space<vmem>> -> memref<1x128xi32, #tpu.memory_space<vmem>>
      %dma_wait3A_739 = tpu.memref_squeeze %dma_wait3A_738 : memref<1x128xi32, #tpu.memory_space<vmem>> -> memref<128xi32, #tpu.memory_space<vmem>>
      %dma_wait3A_740 = arith.constant 0 : i32
      %dma_wait3A_741 = arith.constant 0 : i32
      %dma_wait3A_742 = tpu.memref_slice %arg3[%dma_wait3A_740, %dma_wait3A_741] : memref<1000000x64xf32, #tpu.memory_space<hbm>> -> memref<1000000x64xf32, #tpu.memory_space<hbm>>
      tpu.wait_indirect_dma semaphore(%arg7 : memref<!tpu.dma_semaphore, #tpu.memory_space<semaphore_mem>>) src(%dma_wait3A_742 : memref<1000000x64xf32, #tpu.memory_space<hbm>>) dst(%dma_wait3A_732 : memref<128x64xf32, #tpu.memory_space<vmem>>)
      %dma_wait3A_743 = arith.constant 3 : i32
      %dma_wait3A_744 = arith.constant 0 : i32
      %dma_wait3A_745 = arith.constant 0 : i32
      %dma_wait3A_746 = arith.constant 0 : i32
      %dma_wait3A_747 = tpu.memref_slice %arg6[%dma_wait3A_744, %dma_wait3A_745, %dma_wait3A_746] : memref<2x512x64xf32, #tpu.memory_space<vmem>> -> memref<1x512x64xf32, #tpu.memory_space<vmem>>
      %dma_wait3A_748 = tpu.memref_squeeze %dma_wait3A_747 : memref<1x512x64xf32, #tpu.memory_space<vmem>> -> memref<512x64xf32, #tpu.memory_space<vmem>>
      %dma_wait3A_749 = arith.constant 384 : i32
      %dma_wait3A_750 = arith.constant 0 : i32
      %dma_wait3A_751 = tpu.memref_slice %dma_wait3A_748[%dma_wait3A_749, %dma_wait3A_750] : memref<512x64xf32, #tpu.memory_space<vmem>> -> memref<128x64xf32, #tpu.memory_space<vmem>>
      %dma_wait3A_752 = arith.constant 0 : i32
      %dma_wait3A_753 = arith.constant 0 : i32
      %dma_wait3A_754 = tpu.memref_slice %arg5[%select_n3A_630, %dma_wait3A_752, %dma_wait3A_753] : memref<2x8x128xi32, #tpu.memory_space<vmem>> -> memref<1x8x128xi32, #tpu.memory_space<vmem>>
      %dma_wait3A_755 = tpu.memref_squeeze %dma_wait3A_754 : memref<1x8x128xi32, #tpu.memory_space<vmem>> -> memref<8x128xi32, #tpu.memory_space<vmem>>
      %dma_wait3A_756 = arith.constant 0 : i32
      %dma_wait3A_757 = tpu.memref_slice %dma_wait3A_755[%dma_wait3A_743, %dma_wait3A_756] : memref<8x128xi32, #tpu.memory_space<vmem>> -> memref<1x128xi32, #tpu.memory_space<vmem>>
      %dma_wait3A_758 = tpu.memref_squeeze %dma_wait3A_757 : memref<1x128xi32, #tpu.memory_space<vmem>> -> memref<128xi32, #tpu.memory_space<vmem>>
      %dma_wait3A_759 = arith.constant 0 : i32
      %dma_wait3A_760 = arith.constant 0 : i32
      %dma_wait3A_761 = tpu.memref_slice %arg3[%dma_wait3A_759, %dma_wait3A_760] : memref<1000000x64xf32, #tpu.memory_space<hbm>> -> memref<1000000x64xf32, #tpu.memory_space<hbm>>
      tpu.wait_indirect_dma semaphore(%arg7 : memref<!tpu.dma_semaphore, #tpu.memory_space<semaphore_mem>>) src(%dma_wait3A_761 : memref<1000000x64xf32, #tpu.memory_space<hbm>>) dst(%dma_wait3A_751 : memref<128x64xf32, #tpu.memory_space<vmem>>)
      %dma_start3A_762 = arith.constant 0 : i32
      %dma_start3A_763 = arith.constant 0 : i32
      %dma_start3A_764 = arith.constant 0 : i32
      %dma_start3A_765 = tpu.memref_slice %arg6[%dma_start3A_762, %dma_start3A_763, %dma_start3A_764] : memref<2x512x64xf32, #tpu.memory_space<vmem>> -> memref<1x512x64xf32, #tpu.memory_space<vmem>>
      %dma_start3A_766 = tpu.memref_squeeze %dma_start3A_765 : memref<1x512x64xf32, #tpu.memory_space<vmem>> -> memref<512x64xf32, #tpu.memory_space<vmem>>
      %dma_start3A_767 = arith.constant 0 : i32
      %dma_start3A_768 = tpu.memref_slice %arg4[%add3A_496, %dma_start3A_767] : memref<819200x64xf32, #tpu.memory_space<hbm>> -> memref<512x64xf32, #tpu.memory_space<hbm>>
      %dma_start3A_769 = arith.constant 0 : i32
      %dma_start3A_770 = tpu.memref_slice %arg4[%add3A_496, %dma_start3A_769] : memref<819200x64xf32, #tpu.memory_space<hbm>> -> memref<512x64xf32, #tpu.memory_space<hbm>>
      %dma_start3A_771 = arith.constant 0 : i32
      %dma_start3A_772 = arith.constant 0 : i32
      %dma_start3A_773 = tpu.memref_slice %arg6[%dma_start3A_762, %dma_start3A_771, %dma_start3A_772] : memref<2x512x64xf32, #tpu.memory_space<vmem>> -> memref<1x512x64xf32, #tpu.memory_space<vmem>>
      %dma_start3A_774 = tpu.memref_squeeze %dma_start3A_773 : memref<1x512x64xf32, #tpu.memory_space<vmem>> -> memref<512x64xf32, #tpu.memory_space<vmem>>
      tpu.enqueue_dma source(%dma_start3A_774 : memref<512x64xf32, #tpu.memory_space<vmem>>) target(%dma_start3A_770 : memref<512x64xf32, #tpu.memory_space<hbm>>) target_semaphore(%arg8 : memref<!tpu.dma_semaphore, #tpu.memory_space<semaphore_mem>>)
      %mul3A_775 = arith.constant 1024 : i32
      %mul3A_776 = arith.muli %scan3A_464, %mul3A_775 : i32
      %add3A_777 = arith.addi %mul3A_2, %mul3A_776 : i32
      %add3A_778 = arith.constant 512 : i32
      %add3A_779 = arith.addi %add3A_777, %add3A_778 : i32
      %dma_wait3A_780 = arith.constant 1 : i32
      %dma_wait3A_781 = arith.constant 0 : i32
      %dma_wait3A_782 = arith.constant 0 : i32
      %dma_wait3A_783 = tpu.memref_slice %arg6[%dma_wait3A_780, %dma_wait3A_781, %dma_wait3A_782] : memref<2x512x64xf32, #tpu.memory_space<vmem>> -> memref<1x512x64xf32, #tpu.memory_space<vmem>>
      %dma_wait3A_784 = tpu.memref_squeeze %dma_wait3A_783 : memref<1x512x64xf32, #tpu.memory_space<vmem>> -> memref<512x64xf32, #tpu.memory_space<vmem>>
      %dma_wait3A_785 = arith.constant 0 : i32
      %dma_wait3A_786 = tpu.memref_slice %arg4[%add3A_779, %dma_wait3A_785] : memref<819200x64xf32, #tpu.memory_space<hbm>> -> memref<512x64xf32, #tpu.memory_space<hbm>>
      %dma_wait3A_787 = arith.constant 0 : i32
      %dma_wait3A_788 = tpu.memref_slice %arg4[%add3A_779, %dma_wait3A_787] : memref<819200x64xf32, #tpu.memory_space<hbm>> -> memref<512x64xf32, #tpu.memory_space<hbm>>
      %dma_wait3A_789 = arith.constant 0 : i32
      %dma_wait3A_790 = arith.constant 0 : i32
      %dma_wait3A_791 = tpu.memref_slice %arg6[%dma_wait3A_780, %dma_wait3A_789, %dma_wait3A_790] : memref<2x512x64xf32, #tpu.memory_space<vmem>> -> memref<1x512x64xf32, #tpu.memory_space<vmem>>
      %dma_wait3A_792 = tpu.memref_squeeze %dma_wait3A_791 : memref<1x512x64xf32, #tpu.memory_space<vmem>> -> memref<512x64xf32, #tpu.memory_space<vmem>>
      tpu.wait_dma2 semaphore(%arg9 : memref<!tpu.dma_semaphore, #tpu.memory_space<semaphore_mem>>) src(%dma_wait3A_792 : memref<512x64xf32, #tpu.memory_space<vmem>>) dst(%dma_wait3A_788 : memref<512x64xf32, #tpu.memory_space<hbm>>)
      %jit3A_793 = arith.constant 2 : i32
      %eq3A_794 = arith.constant 0 : i32
      %eq3A_795 = arith.cmpi eq, %jit3A_793, %eq3A_794 : i32
      %jit3A_796 = arith.constant 1 : i32
      %select_n3A_797 = arith.select %eq3A_795, %jit3A_796, %jit3A_793 : i32
      %rem3A_798 = arith.remsi %scan3A_464, %select_n3A_797 : i32
      %ne3A_799 = arith.constant 0 : i32
      %ne3A_800 = arith.cmpi ne, %rem3A_798, %ne3A_799 : i32
      %lt3A_801 = arith.constant 0 : i32
      %lt3A_802 = arith.cmpi slt, %rem3A_798, %lt3A_801 : i32
      %lt3A_803 = arith.constant 0 : i32
      %lt3A_804 = arith.cmpi slt, %select_n3A_797, %lt3A_803 : i32
      %ne3A_805 = arith.xori %lt3A_802, %lt3A_804 : i1
      %and3A_806 = arith.andi %ne3A_805, %ne3A_800 : i1
      %add3A_807 = arith.addi %rem3A_798, %select_n3A_797 : i32
      %select_n3A_808 = arith.select %and3A_806, %add3A_807, %rem3A_798 : i32
      %dma_start3A_809 = arith.constant 4 : i32
      %dma_start3A_810 = arith.constant 1 : i32
      %dma_start3A_811 = arith.constant 0 : i32
      %dma_start3A_812 = arith.constant 0 : i32
      %dma_start3A_813 = tpu.memref_slice %arg6[%dma_start3A_810, %dma_start3A_811, %dma_start3A_812] : memref<2x512x64xf32, #tpu.memory_space<vmem>> -> memref<1x512x64xf32, #tpu.memory_space<vmem>>
      %dma_start3A_814 = tpu.memref_squeeze %dma_start3A_813 : memref<1x512x64xf32, #tpu.memory_space<vmem>> -> memref<512x64xf32, #tpu.memory_space<vmem>>
      %dma_start3A_815 = arith.constant 0 : i32
      %dma_start3A_816 = arith.constant 0 : i32
      %dma_start3A_817 = tpu.memref_slice %dma_start3A_814[%dma_start3A_815, %dma_start3A_816] : memref<512x64xf32, #tpu.memory_space<vmem>> -> memref<128x64xf32, #tpu.memory_space<vmem>>
      %dma_start3A_818 = arith.constant 0 : i32
      %dma_start3A_819 = arith.constant 0 : i32
      %dma_start3A_820 = tpu.memref_slice %arg5[%select_n3A_808, %dma_start3A_818, %dma_start3A_819] : memref<2x8x128xi32, #tpu.memory_space<vmem>> -> memref<1x8x128xi32, #tpu.memory_space<vmem>>
      %dma_start3A_821 = tpu.memref_squeeze %dma_start3A_820 : memref<1x8x128xi32, #tpu.memory_space<vmem>> -> memref<8x128xi32, #tpu.memory_space<vmem>>
      %dma_start3A_822 = arith.constant 0 : i32
      %dma_start3A_823 = tpu.memref_slice %dma_start3A_821[%dma_start3A_809, %dma_start3A_822] : memref<8x128xi32, #tpu.memory_space<vmem>> -> memref<1x128xi32, #tpu.memory_space<vmem>>
      %dma_start3A_824 = tpu.memref_squeeze %dma_start3A_823 : memref<1x128xi32, #tpu.memory_space<vmem>> -> memref<128xi32, #tpu.memory_space<vmem>>
      %dma_start3A_825 = arith.constant 0 : i32
      %dma_start3A_826 = arith.constant 0 : i32
      %dma_start3A_827 = tpu.memref_slice %arg3[%dma_start3A_825, %dma_start3A_826] : memref<1000000x64xf32, #tpu.memory_space<hbm>> -> memref<1000000x64xf32, #tpu.memory_space<hbm>>
      tpu.enqueue_indirect_dma source(%dma_start3A_827 : memref<1000000x64xf32, #tpu.memory_space<hbm>>) target(%dma_start3A_817 : memref<128x64xf32, #tpu.memory_space<vmem>>) offsets(%dma_start3A_824 : memref<128xi32, #tpu.memory_space<vmem>>) semaphore(%arg7 : memref<!tpu.dma_semaphore, #tpu.memory_space<semaphore_mem>>)
      %jit3A_828 = arith.constant 2 : i32
      %eq3A_829 = arith.constant 0 : i32
      %eq3A_830 = arith.cmpi eq, %jit3A_828, %eq3A_829 : i32
      %jit3A_831 = arith.constant 1 : i32
      %select_n3A_832 = arith.select %eq3A_830, %jit3A_831, %jit3A_828 : i32
      %rem3A_833 = arith.remsi %scan3A_464, %select_n3A_832 : i32
      %ne3A_834 = arith.constant 0 : i32
      %ne3A_835 = arith.cmpi ne, %rem3A_833, %ne3A_834 : i32
      %lt3A_836 = arith.constant 0 : i32
      %lt3A_837 = arith.cmpi slt, %rem3A_833, %lt3A_836 : i32
      %lt3A_838 = arith.constant 0 : i32
      %lt3A_839 = arith.cmpi slt, %select_n3A_832, %lt3A_838 : i32
      %ne3A_840 = arith.xori %lt3A_837, %lt3A_839 : i1
      %and3A_841 = arith.andi %ne3A_840, %ne3A_835 : i1
      %add3A_842 = arith.addi %rem3A_833, %select_n3A_832 : i32
      %select_n3A_843 = arith.select %and3A_841, %add3A_842, %rem3A_833 : i32
      %dma_start3A_844 = arith.constant 5 : i32
      %dma_start3A_845 = arith.constant 1 : i32
      %dma_start3A_846 = arith.constant 0 : i32
      %dma_start3A_847 = arith.constant 0 : i32
      %dma_start3A_848 = tpu.memref_slice %arg6[%dma_start3A_845, %dma_start3A_846, %dma_start3A_847] : memref<2x512x64xf32, #tpu.memory_space<vmem>> -> memref<1x512x64xf32, #tpu.memory_space<vmem>>
      %dma_start3A_849 = tpu.memref_squeeze %dma_start3A_848 : memref<1x512x64xf32, #tpu.memory_space<vmem>> -> memref<512x64xf32, #tpu.memory_space<vmem>>
      %dma_start3A_850 = arith.constant 128 : i32
      %dma_start3A_851 = arith.constant 0 : i32
      %dma_start3A_852 = tpu.memref_slice %dma_start3A_849[%dma_start3A_850, %dma_start3A_851] : memref<512x64xf32, #tpu.memory_space<vmem>> -> memref<128x64xf32, #tpu.memory_space<vmem>>
      %dma_start3A_853 = arith.constant 0 : i32
      %dma_start3A_854 = arith.constant 0 : i32
      %dma_start3A_855 = tpu.memref_slice %arg5[%select_n3A_843, %dma_start3A_853, %dma_start3A_854] : memref<2x8x128xi32, #tpu.memory_space<vmem>> -> memref<1x8x128xi32, #tpu.memory_space<vmem>>
      %dma_start3A_856 = tpu.memref_squeeze %dma_start3A_855 : memref<1x8x128xi32, #tpu.memory_space<vmem>> -> memref<8x128xi32, #tpu.memory_space<vmem>>
      %dma_start3A_857 = arith.constant 0 : i32
      %dma_start3A_858 = tpu.memref_slice %dma_start3A_856[%dma_start3A_844, %dma_start3A_857] : memref<8x128xi32, #tpu.memory_space<vmem>> -> memref<1x128xi32, #tpu.memory_space<vmem>>
      %dma_start3A_859 = tpu.memref_squeeze %dma_start3A_858 : memref<1x128xi32, #tpu.memory_space<vmem>> -> memref<128xi32, #tpu.memory_space<vmem>>
      %dma_start3A_860 = arith.constant 0 : i32
      %dma_start3A_861 = arith.constant 0 : i32
      %dma_start3A_862 = tpu.memref_slice %arg3[%dma_start3A_860, %dma_start3A_861] : memref<1000000x64xf32, #tpu.memory_space<hbm>> -> memref<1000000x64xf32, #tpu.memory_space<hbm>>
      tpu.enqueue_indirect_dma source(%dma_start3A_862 : memref<1000000x64xf32, #tpu.memory_space<hbm>>) target(%dma_start3A_852 : memref<128x64xf32, #tpu.memory_space<vmem>>) offsets(%dma_start3A_859 : memref<128xi32, #tpu.memory_space<vmem>>) semaphore(%arg7 : memref<!tpu.dma_semaphore, #tpu.memory_space<semaphore_mem>>)
      %jit3A_863 = arith.constant 2 : i32
      %eq3A_864 = arith.constant 0 : i32
      %eq3A_865 = arith.cmpi eq, %jit3A_863, %eq3A_864 : i32
      %jit3A_866 = arith.constant 1 : i32
      %select_n3A_867 = arith.select %eq3A_865, %jit3A_866, %jit3A_863 : i32
      %rem3A_868 = arith.remsi %scan3A_464, %select_n3A_867 : i32
      %ne3A_869 = arith.constant 0 : i32
      %ne3A_870 = arith.cmpi ne, %rem3A_868, %ne3A_869 : i32
      %lt3A_871 = arith.constant 0 : i32
      %lt3A_872 = arith.cmpi slt, %rem3A_868, %lt3A_871 : i32
      %lt3A_873 = arith.constant 0 : i32
      %lt3A_874 = arith.cmpi slt, %select_n3A_867, %lt3A_873 : i32
      %ne3A_875 = arith.xori %lt3A_872, %lt3A_874 : i1
      %and3A_876 = arith.andi %ne3A_875, %ne3A_870 : i1
      %add3A_877 = arith.addi %rem3A_868, %select_n3A_867 : i32
      %select_n3A_878 = arith.select %and3A_876, %add3A_877, %rem3A_868 : i32
      %dma_start3A_879 = arith.constant 6 : i32
      %dma_start3A_880 = arith.constant 1 : i32
      %dma_start3A_881 = arith.constant 0 : i32
      %dma_start3A_882 = arith.constant 0 : i32
      %dma_start3A_883 = tpu.memref_slice %arg6[%dma_start3A_880, %dma_start3A_881, %dma_start3A_882] : memref<2x512x64xf32, #tpu.memory_space<vmem>> -> memref<1x512x64xf32, #tpu.memory_space<vmem>>
      %dma_start3A_884 = tpu.memref_squeeze %dma_start3A_883 : memref<1x512x64xf32, #tpu.memory_space<vmem>> -> memref<512x64xf32, #tpu.memory_space<vmem>>
      %dma_start3A_885 = arith.constant 256 : i32
      %dma_start3A_886 = arith.constant 0 : i32
      %dma_start3A_887 = tpu.memref_slice %dma_start3A_884[%dma_start3A_885, %dma_start3A_886] : memref<512x64xf32, #tpu.memory_space<vmem>> -> memref<128x64xf32, #tpu.memory_space<vmem>>
      %dma_start3A_888 = arith.constant 0 : i32
      %dma_start3A_889 = arith.constant 0 : i32
      %dma_start3A_890 = tpu.memref_slice %arg5[%select_n3A_878, %dma_start3A_888, %dma_start3A_889] : memref<2x8x128xi32, #tpu.memory_space<vmem>> -> memref<1x8x128xi32, #tpu.memory_space<vmem>>
      %dma_start3A_891 = tpu.memref_squeeze %dma_start3A_890 : memref<1x8x128xi32, #tpu.memory_space<vmem>> -> memref<8x128xi32, #tpu.memory_space<vmem>>
      %dma_start3A_892 = arith.constant 0 : i32
      %dma_start3A_893 = tpu.memref_slice %dma_start3A_891[%dma_start3A_879, %dma_start3A_892] : memref<8x128xi32, #tpu.memory_space<vmem>> -> memref<1x128xi32, #tpu.memory_space<vmem>>
      %dma_start3A_894 = tpu.memref_squeeze %dma_start3A_893 : memref<1x128xi32, #tpu.memory_space<vmem>> -> memref<128xi32, #tpu.memory_space<vmem>>
      %dma_start3A_895 = arith.constant 0 : i32
      %dma_start3A_896 = arith.constant 0 : i32
      %dma_start3A_897 = tpu.memref_slice %arg3[%dma_start3A_895, %dma_start3A_896] : memref<1000000x64xf32, #tpu.memory_space<hbm>> -> memref<1000000x64xf32, #tpu.memory_space<hbm>>
      tpu.enqueue_indirect_dma source(%dma_start3A_897 : memref<1000000x64xf32, #tpu.memory_space<hbm>>) target(%dma_start3A_887 : memref<128x64xf32, #tpu.memory_space<vmem>>) offsets(%dma_start3A_894 : memref<128xi32, #tpu.memory_space<vmem>>) semaphore(%arg7 : memref<!tpu.dma_semaphore, #tpu.memory_space<semaphore_mem>>)
      %jit3A_898 = arith.constant 2 : i32
      %eq3A_899 = arith.constant 0 : i32
      %eq3A_900 = arith.cmpi eq, %jit3A_898, %eq3A_899 : i32
      %jit3A_901 = arith.constant 1 : i32
      %select_n3A_902 = arith.select %eq3A_900, %jit3A_901, %jit3A_898 : i32
      %rem3A_903 = arith.remsi %scan3A_464, %select_n3A_902 : i32
      %ne3A_904 = arith.constant 0 : i32
      %ne3A_905 = arith.cmpi ne, %rem3A_903, %ne3A_904 : i32
      %lt3A_906 = arith.constant 0 : i32
      %lt3A_907 = arith.cmpi slt, %rem3A_903, %lt3A_906 : i32
      %lt3A_908 = arith.constant 0 : i32
      %lt3A_909 = arith.cmpi slt, %select_n3A_902, %lt3A_908 : i32
      %ne3A_910 = arith.xori %lt3A_907, %lt3A_909 : i1
      %and3A_911 = arith.andi %ne3A_910, %ne3A_905 : i1
      %add3A_912 = arith.addi %rem3A_903, %select_n3A_902 : i32
      %select_n3A_913 = arith.select %and3A_911, %add3A_912, %rem3A_903 : i32
      %dma_start3A_914 = arith.constant 7 : i32
      %dma_start3A_915 = arith.constant 1 : i32
      %dma_start3A_916 = arith.constant 0 : i32
      %dma_start3A_917 = arith.constant 0 : i32
      %dma_start3A_918 = tpu.memref_slice %arg6[%dma_start3A_915, %dma_start3A_916, %dma_start3A_917] : memref<2x512x64xf32, #tpu.memory_space<vmem>> -> memref<1x512x64xf32, #tpu.memory_space<vmem>>
      %dma_start3A_919 = tpu.memref_squeeze %dma_start3A_918 : memref<1x512x64xf32, #tpu.memory_space<vmem>> -> memref<512x64xf32, #tpu.memory_space<vmem>>
      %dma_start3A_920 = arith.constant 384 : i32
      %dma_start3A_921 = arith.constant 0 : i32
      %dma_start3A_922 = tpu.memref_slice %dma_start3A_919[%dma_start3A_920, %dma_start3A_921] : memref<512x64xf32, #tpu.memory_space<vmem>> -> memref<128x64xf32, #tpu.memory_space<vmem>>
      %dma_start3A_923 = arith.constant 0 : i32
      %dma_start3A_924 = arith.constant 0 : i32
      %dma_start3A_925 = tpu.memref_slice %arg5[%select_n3A_913, %dma_start3A_923, %dma_start3A_924] : memref<2x8x128xi32, #tpu.memory_space<vmem>> -> memref<1x8x128xi32, #tpu.memory_space<vmem>>
      %dma_start3A_926 = tpu.memref_squeeze %dma_start3A_925 : memref<1x8x128xi32, #tpu.memory_space<vmem>> -> memref<8x128xi32, #tpu.memory_space<vmem>>
      %dma_start3A_927 = arith.constant 0 : i32
      %dma_start3A_928 = tpu.memref_slice %dma_start3A_926[%dma_start3A_914, %dma_start3A_927] : memref<8x128xi32, #tpu.memory_space<vmem>> -> memref<1x128xi32, #tpu.memory_space<vmem>>
      %dma_start3A_929 = tpu.memref_squeeze %dma_start3A_928 : memref<1x128xi32, #tpu.memory_space<vmem>> -> memref<128xi32, #tpu.memory_space<vmem>>
      %dma_start3A_930 = arith.constant 0 : i32
      %dma_start3A_931 = arith.constant 0 : i32
      %dma_start3A_932 = tpu.memref_slice %arg3[%dma_start3A_930, %dma_start3A_931] : memref<1000000x64xf32, #tpu.memory_space<hbm>> -> memref<1000000x64xf32, #tpu.memory_space<hbm>>
      tpu.enqueue_indirect_dma source(%dma_start3A_932 : memref<1000000x64xf32, #tpu.memory_space<hbm>>) target(%dma_start3A_922 : memref<128x64xf32, #tpu.memory_space<vmem>>) offsets(%dma_start3A_929 : memref<128xi32, #tpu.memory_space<vmem>>) semaphore(%arg7 : memref<!tpu.dma_semaphore, #tpu.memory_space<semaphore_mem>>)
      %dma_wait3A_933 = arith.constant 4 : i32
      %dma_wait3A_934 = arith.constant 1 : i32
      %dma_wait3A_935 = arith.constant 0 : i32
      %dma_wait3A_936 = arith.constant 0 : i32
      %dma_wait3A_937 = tpu.memref_slice %arg6[%dma_wait3A_934, %dma_wait3A_935, %dma_wait3A_936] : memref<2x512x64xf32, #tpu.memory_space<vmem>> -> memref<1x512x64xf32, #tpu.memory_space<vmem>>
      %dma_wait3A_938 = tpu.memref_squeeze %dma_wait3A_937 : memref<1x512x64xf32, #tpu.memory_space<vmem>> -> memref<512x64xf32, #tpu.memory_space<vmem>>
      %dma_wait3A_939 = arith.constant 0 : i32
      %dma_wait3A_940 = arith.constant 0 : i32
      %dma_wait3A_941 = tpu.memref_slice %dma_wait3A_938[%dma_wait3A_939, %dma_wait3A_940] : memref<512x64xf32, #tpu.memory_space<vmem>> -> memref<128x64xf32, #tpu.memory_space<vmem>>
      %dma_wait3A_942 = arith.constant 0 : i32
      %dma_wait3A_943 = arith.constant 0 : i32
      %dma_wait3A_944 = tpu.memref_slice %arg5[%select_n3A_808, %dma_wait3A_942, %dma_wait3A_943] : memref<2x8x128xi32, #tpu.memory_space<vmem>> -> memref<1x8x128xi32, #tpu.memory_space<vmem>>
      %dma_wait3A_945 = tpu.memref_squeeze %dma_wait3A_944 : memref<1x8x128xi32, #tpu.memory_space<vmem>> -> memref<8x128xi32, #tpu.memory_space<vmem>>
      %dma_wait3A_946 = arith.constant 0 : i32
      %dma_wait3A_947 = tpu.memref_slice %dma_wait3A_945[%dma_wait3A_933, %dma_wait3A_946] : memref<8x128xi32, #tpu.memory_space<vmem>> -> memref<1x128xi32, #tpu.memory_space<vmem>>
      %dma_wait3A_948 = tpu.memref_squeeze %dma_wait3A_947 : memref<1x128xi32, #tpu.memory_space<vmem>> -> memref<128xi32, #tpu.memory_space<vmem>>
      %dma_wait3A_949 = arith.constant 0 : i32
      %dma_wait3A_950 = arith.constant 0 : i32
      %dma_wait3A_951 = tpu.memref_slice %arg3[%dma_wait3A_949, %dma_wait3A_950] : memref<1000000x64xf32, #tpu.memory_space<hbm>> -> memref<1000000x64xf32, #tpu.memory_space<hbm>>
      tpu.wait_indirect_dma semaphore(%arg7 : memref<!tpu.dma_semaphore, #tpu.memory_space<semaphore_mem>>) src(%dma_wait3A_951 : memref<1000000x64xf32, #tpu.memory_space<hbm>>) dst(%dma_wait3A_941 : memref<128x64xf32, #tpu.memory_space<vmem>>)
      %dma_wait3A_952 = arith.constant 5 : i32
      %dma_wait3A_953 = arith.constant 1 : i32
      %dma_wait3A_954 = arith.constant 0 : i32
      %dma_wait3A_955 = arith.constant 0 : i32
      %dma_wait3A_956 = tpu.memref_slice %arg6[%dma_wait3A_953, %dma_wait3A_954, %dma_wait3A_955] : memref<2x512x64xf32, #tpu.memory_space<vmem>> -> memref<1x512x64xf32, #tpu.memory_space<vmem>>
      %dma_wait3A_957 = tpu.memref_squeeze %dma_wait3A_956 : memref<1x512x64xf32, #tpu.memory_space<vmem>> -> memref<512x64xf32, #tpu.memory_space<vmem>>
      %dma_wait3A_958 = arith.constant 128 : i32
      %dma_wait3A_959 = arith.constant 0 : i32
      %dma_wait3A_960 = tpu.memref_slice %dma_wait3A_957[%dma_wait3A_958, %dma_wait3A_959] : memref<512x64xf32, #tpu.memory_space<vmem>> -> memref<128x64xf32, #tpu.memory_space<vmem>>
      %dma_wait3A_961 = arith.constant 0 : i32
      %dma_wait3A_962 = arith.constant 0 : i32
      %dma_wait3A_963 = tpu.memref_slice %arg5[%select_n3A_843, %dma_wait3A_961, %dma_wait3A_962] : memref<2x8x128xi32, #tpu.memory_space<vmem>> -> memref<1x8x128xi32, #tpu.memory_space<vmem>>
      %dma_wait3A_964 = tpu.memref_squeeze %dma_wait3A_963 : memref<1x8x128xi32, #tpu.memory_space<vmem>> -> memref<8x128xi32, #tpu.memory_space<vmem>>
      %dma_wait3A_965 = arith.constant 0 : i32
      %dma_wait3A_966 = tpu.memref_slice %dma_wait3A_964[%dma_wait3A_952, %dma_wait3A_965] : memref<8x128xi32, #tpu.memory_space<vmem>> -> memref<1x128xi32, #tpu.memory_space<vmem>>
      %dma_wait3A_967 = tpu.memref_squeeze %dma_wait3A_966 : memref<1x128xi32, #tpu.memory_space<vmem>> -> memref<128xi32, #tpu.memory_space<vmem>>
      %dma_wait3A_968 = arith.constant 0 : i32
      %dma_wait3A_969 = arith.constant 0 : i32
      %dma_wait3A_970 = tpu.memref_slice %arg3[%dma_wait3A_968, %dma_wait3A_969] : memref<1000000x64xf32, #tpu.memory_space<hbm>> -> memref<1000000x64xf32, #tpu.memory_space<hbm>>
      tpu.wait_indirect_dma semaphore(%arg7 : memref<!tpu.dma_semaphore, #tpu.memory_space<semaphore_mem>>) src(%dma_wait3A_970 : memref<1000000x64xf32, #tpu.memory_space<hbm>>) dst(%dma_wait3A_960 : memref<128x64xf32, #tpu.memory_space<vmem>>)
      %dma_wait3A_971 = arith.constant 6 : i32
      %dma_wait3A_972 = arith.constant 1 : i32
      %dma_wait3A_973 = arith.constant 0 : i32
      %dma_wait3A_974 = arith.constant 0 : i32
      %dma_wait3A_975 = tpu.memref_slice %arg6[%dma_wait3A_972, %dma_wait3A_973, %dma_wait3A_974] : memref<2x512x64xf32, #tpu.memory_space<vmem>> -> memref<1x512x64xf32, #tpu.memory_space<vmem>>
      %dma_wait3A_976 = tpu.memref_squeeze %dma_wait3A_975 : memref<1x512x64xf32, #tpu.memory_space<vmem>> -> memref<512x64xf32, #tpu.memory_space<vmem>>
      %dma_wait3A_977 = arith.constant 256 : i32
      %dma_wait3A_978 = arith.constant 0 : i32
      %dma_wait3A_979 = tpu.memref_slice %dma_wait3A_976[%dma_wait3A_977, %dma_wait3A_978] : memref<512x64xf32, #tpu.memory_space<vmem>> -> memref<128x64xf32, #tpu.memory_space<vmem>>
      %dma_wait3A_980 = arith.constant 0 : i32
      %dma_wait3A_981 = arith.constant 0 : i32
      %dma_wait3A_982 = tpu.memref_slice %arg5[%select_n3A_878, %dma_wait3A_980, %dma_wait3A_981] : memref<2x8x128xi32, #tpu.memory_space<vmem>> -> memref<1x8x128xi32, #tpu.memory_space<vmem>>
      %dma_wait3A_983 = tpu.memref_squeeze %dma_wait3A_982 : memref<1x8x128xi32, #tpu.memory_space<vmem>> -> memref<8x128xi32, #tpu.memory_space<vmem>>
      %dma_wait3A_984 = arith.constant 0 : i32
      %dma_wait3A_985 = tpu.memref_slice %dma_wait3A_983[%dma_wait3A_971, %dma_wait3A_984] : memref<8x128xi32, #tpu.memory_space<vmem>> -> memref<1x128xi32, #tpu.memory_space<vmem>>
      %dma_wait3A_986 = tpu.memref_squeeze %dma_wait3A_985 : memref<1x128xi32, #tpu.memory_space<vmem>> -> memref<128xi32, #tpu.memory_space<vmem>>
      %dma_wait3A_987 = arith.constant 0 : i32
      %dma_wait3A_988 = arith.constant 0 : i32
      %dma_wait3A_989 = tpu.memref_slice %arg3[%dma_wait3A_987, %dma_wait3A_988] : memref<1000000x64xf32, #tpu.memory_space<hbm>> -> memref<1000000x64xf32, #tpu.memory_space<hbm>>
      tpu.wait_indirect_dma semaphore(%arg7 : memref<!tpu.dma_semaphore, #tpu.memory_space<semaphore_mem>>) src(%dma_wait3A_989 : memref<1000000x64xf32, #tpu.memory_space<hbm>>) dst(%dma_wait3A_979 : memref<128x64xf32, #tpu.memory_space<vmem>>)
      %dma_wait3A_990 = arith.constant 7 : i32
      %dma_wait3A_991 = arith.constant 1 : i32
      %dma_wait3A_992 = arith.constant 0 : i32
      %dma_wait3A_993 = arith.constant 0 : i32
      %dma_wait3A_994 = tpu.memref_slice %arg6[%dma_wait3A_991, %dma_wait3A_992, %dma_wait3A_993] : memref<2x512x64xf32, #tpu.memory_space<vmem>> -> memref<1x512x64xf32, #tpu.memory_space<vmem>>
      %dma_wait3A_995 = tpu.memref_squeeze %dma_wait3A_994 : memref<1x512x64xf32, #tpu.memory_space<vmem>> -> memref<512x64xf32, #tpu.memory_space<vmem>>
      %dma_wait3A_996 = arith.constant 384 : i32
      %dma_wait3A_997 = arith.constant 0 : i32
      %dma_wait3A_998 = tpu.memref_slice %dma_wait3A_995[%dma_wait3A_996, %dma_wait3A_997] : memref<512x64xf32, #tpu.memory_space<vmem>> -> memref<128x64xf32, #tpu.memory_space<vmem>>
      %dma_wait3A_999 = arith.constant 0 : i32
      %dma_wait3A_1000 = arith.constant 0 : i32
      %dma_wait3A_1001 = tpu.memref_slice %arg5[%select_n3A_913, %dma_wait3A_999, %dma_wait3A_1000] : memref<2x8x128xi32, #tpu.memory_space<vmem>> -> memref<1x8x128xi32, #tpu.memory_space<vmem>>
      %dma_wait3A_1002 = tpu.memref_squeeze %dma_wait3A_1001 : memref<1x8x128xi32, #tpu.memory_space<vmem>> -> memref<8x128xi32, #tpu.memory_space<vmem>>
      %dma_wait3A_1003 = arith.constant 0 : i32
      %dma_wait3A_1004 = tpu.memref_slice %dma_wait3A_1002[%dma_wait3A_990, %dma_wait3A_1003] : memref<8x128xi32, #tpu.memory_space<vmem>> -> memref<1x128xi32, #tpu.memory_space<vmem>>
      %dma_wait3A_1005 = tpu.memref_squeeze %dma_wait3A_1004 : memref<1x128xi32, #tpu.memory_space<vmem>> -> memref<128xi32, #tpu.memory_space<vmem>>
      %dma_wait3A_1006 = arith.constant 0 : i32
      %dma_wait3A_1007 = arith.constant 0 : i32
      %dma_wait3A_1008 = tpu.memref_slice %arg3[%dma_wait3A_1006, %dma_wait3A_1007] : memref<1000000x64xf32, #tpu.memory_space<hbm>> -> memref<1000000x64xf32, #tpu.memory_space<hbm>>
      tpu.wait_indirect_dma semaphore(%arg7 : memref<!tpu.dma_semaphore, #tpu.memory_space<semaphore_mem>>) src(%dma_wait3A_1008 : memref<1000000x64xf32, #tpu.memory_space<hbm>>) dst(%dma_wait3A_998 : memref<128x64xf32, #tpu.memory_space<vmem>>)
      %dma_start3A_1009 = arith.constant 1 : i32
      %dma_start3A_1010 = arith.constant 0 : i32
      %dma_start3A_1011 = arith.constant 0 : i32
      %dma_start3A_1012 = tpu.memref_slice %arg6[%dma_start3A_1009, %dma_start3A_1010, %dma_start3A_1011] : memref<2x512x64xf32, #tpu.memory_space<vmem>> -> memref<1x512x64xf32, #tpu.memory_space<vmem>>
      %dma_start3A_1013 = tpu.memref_squeeze %dma_start3A_1012 : memref<1x512x64xf32, #tpu.memory_space<vmem>> -> memref<512x64xf32, #tpu.memory_space<vmem>>
      %dma_start3A_1014 = arith.constant 0 : i32
      %dma_start3A_1015 = tpu.memref_slice %arg4[%add3A_779, %dma_start3A_1014] : memref<819200x64xf32, #tpu.memory_space<hbm>> -> memref<512x64xf32, #tpu.memory_space<hbm>>
      %dma_start3A_1016 = arith.constant 0 : i32
      %dma_start3A_1017 = tpu.memref_slice %arg4[%add3A_779, %dma_start3A_1016] : memref<819200x64xf32, #tpu.memory_space<hbm>> -> memref<512x64xf32, #tpu.memory_space<hbm>>
      %dma_start3A_1018 = arith.constant 0 : i32
      %dma_start3A_1019 = arith.constant 0 : i32
      %dma_start3A_1020 = tpu.memref_slice %arg6[%dma_start3A_1009, %dma_start3A_1018, %dma_start3A_1019] : memref<2x512x64xf32, #tpu.memory_space<vmem>> -> memref<1x512x64xf32, #tpu.memory_space<vmem>>
      %dma_start3A_1021 = tpu.memref_squeeze %dma_start3A_1020 : memref<1x512x64xf32, #tpu.memory_space<vmem>> -> memref<512x64xf32, #tpu.memory_space<vmem>>
      tpu.enqueue_dma source(%dma_start3A_1021 : memref<512x64xf32, #tpu.memory_space<vmem>>) target(%dma_start3A_1017 : memref<512x64xf32, #tpu.memory_space<hbm>>) target_semaphore(%arg9 : memref<!tpu.dma_semaphore, #tpu.memory_space<semaphore_mem>>)
    }
    %scan3A_413 = arith.constant 24 : i32
    %add3A_414 = arith.constant 200 : i32
    %add3A_415 = arith.addi %mul3A_4, %add3A_414 : i32
    %min3A_416 = arith.constant 6392 : i32
    %min3A_417 = arith.minsi %add3A_415, %min3A_416 : i32
    %multiple_of3A_418 = tpu.assume_multiple %min3A_417, 8 : i32
    %dma_wait3A_419 = arith.constant 1 : i32
    %dma_wait3A_420 = arith.constant 0 : i32
    %dma_wait3A_421 = arith.constant 0 : i32
    %dma_wait3A_422 = tpu.memref_slice %arg5[%dma_wait3A_419, %dma_wait3A_420, %dma_wait3A_421] : memref<2x8x128xi32, #tpu.memory_space<vmem>> -> memref<1x8x128xi32, #tpu.memory_space<vmem>>
    %dma_wait3A_423 = tpu.memref_squeeze %dma_wait3A_422 : memref<1x8x128xi32, #tpu.memory_space<vmem>> -> memref<8x128xi32, #tpu.memory_space<vmem>>
    %dma_wait3A_424 = arith.constant 0 : i32
    %dma_wait3A_425 = tpu.memref_slice %arg2[%multiple_of3A_418, %dma_wait3A_424] : memref<6400x128xi32, #tpu.memory_space<hbm>> -> memref<8x128xi32, #tpu.memory_space<hbm>>
    %dma_wait3A_426 = arith.constant 0 : i32
    %dma_wait3A_427 = arith.constant 0 : i32
    %dma_wait3A_428 = tpu.memref_slice %arg5[%dma_wait3A_419, %dma_wait3A_426, %dma_wait3A_427] : memref<2x8x128xi32, #tpu.memory_space<vmem>> -> memref<1x8x128xi32, #tpu.memory_space<vmem>>
    %dma_wait3A_429 = tpu.memref_squeeze %dma_wait3A_428 : memref<1x8x128xi32, #tpu.memory_space<vmem>> -> memref<8x128xi32, #tpu.memory_space<vmem>>
    %dma_wait3A_430 = arith.constant 0 : i32
    %dma_wait3A_431 = tpu.memref_slice %arg2[%multiple_of3A_418, %dma_wait3A_430] : memref<6400x128xi32, #tpu.memory_space<hbm>> -> memref<8x128xi32, #tpu.memory_space<hbm>>
    tpu.wait_dma2 semaphore(%arg10 : memref<!tpu.dma_semaphore, #tpu.memory_space<semaphore_mem>>) src(%dma_wait3A_431 : memref<8x128xi32, #tpu.memory_space<hbm>>) dst(%dma_wait3A_429 : memref<8x128xi32, #tpu.memory_space<vmem>>)
    %add3A_432 = arith.constant 24576 : i32
    %add3A_433 = arith.addi %mul3A_2, %add3A_432 : i32
    %dma_wait3A_434 = arith.constant 0 : i32
    %dma_wait3A_435 = arith.constant 0 : i32
    %dma_wait3A_436 = arith.constant 0 : i32
    %dma_wait3A_437 = tpu.memref_slice %arg6[%dma_wait3A_434, %dma_wait3A_435, %dma_wait3A_436] : memref<2x512x64xf32, #tpu.memory_space<vmem>> -> memref<1x512x64xf32, #tpu.memory_space<vmem>>
    %dma_wait3A_438 = tpu.memref_squeeze %dma_wait3A_437 : memref<1x512x64xf32, #tpu.memory_space<vmem>> -> memref<512x64xf32, #tpu.memory_space<vmem>>
    %dma_wait3A_439 = arith.constant 0 : i32
    %dma_wait3A_440 = tpu.memref_slice %arg4[%add3A_433, %dma_wait3A_439] : memref<819200x64xf32, #tpu.memory_space<hbm>> -> memref<512x64xf32, #tpu.memory_space<hbm>>
    %dma_wait3A_441 = arith.constant 0 : i32
    %dma_wait3A_442 = tpu.memref_slice %arg4[%add3A_433, %dma_wait3A_441] : memref<819200x64xf32, #tpu.memory_space<hbm>> -> memref<512x64xf32, #tpu.memory_space<hbm>>
    %dma_wait3A_443 = arith.constant 0 : i32
    %dma_wait3A_444 = arith.constant 0 : i32
    %dma_wait3A_445 = tpu.memref_slice %arg6[%dma_wait3A_434, %dma_wait3A_443, %dma_wait3A_444] : memref<2x512x64xf32, #tpu.memory_space<vmem>> -> memref<1x512x64xf32, #tpu.memory_space<vmem>>
    %dma_wait3A_446 = tpu.memref_squeeze %dma_wait3A_445 : memref<1x512x64xf32, #tpu.memory_space<vmem>> -> memref<512x64xf32, #tpu.memory_space<vmem>>
    tpu.wait_dma2 semaphore(%arg8 : memref<!tpu.dma_semaphore, #tpu.memory_space<semaphore_mem>>) src(%dma_wait3A_446 : memref<512x64xf32, #tpu.memory_space<vmem>>) dst(%dma_wait3A_442 : memref<512x64xf32, #tpu.memory_space<hbm>>)
    %add3A_447 = arith.constant 24576 : i32
    %add3A_448 = arith.addi %mul3A_2, %add3A_447 : i32
    %add3A_449 = arith.constant 512 : i32
    %add3A_450 = arith.addi %add3A_448, %add3A_449 : i32
    %dma_wait3A_451 = arith.constant 1 : i32
    %dma_wait3A_452 = arith.constant 0 : i32
    %dma_wait3A_453 = arith.constant 0 : i32
    %dma_wait3A_454 = tpu.memref_slice %arg6[%dma_wait3A_451, %dma_wait3A_452, %dma_wait3A_453] : memref<2x512x64xf32, #tpu.memory_space<vmem>> -> memref<1x512x64xf32, #tpu.memory_space<vmem>>
    %dma_wait3A_455 = tpu.memref_squeeze %dma_wait3A_454 : memref<1x512x64xf32, #tpu.memory_space<vmem>> -> memref<512x64xf32, #tpu.memory_space<vmem>>
    %dma_wait3A_456 = arith.constant 0 : i32
    %dma_wait3A_457 = tpu.memref_slice %arg4[%add3A_450, %dma_wait3A_456] : memref<819200x64xf32, #tpu.memory_space<hbm>> -> memref<512x64xf32, #tpu.memory_space<hbm>>
    %dma_wait3A_458 = arith.constant 0 : i32
    %dma_wait3A_459 = tpu.memref_slice %arg4[%add3A_450, %dma_wait3A_458] : memref<819200x64xf32, #tpu.memory_space<hbm>> -> memref<512x64xf32, #tpu.memory_space<hbm>>
    %dma_wait3A_460 = arith.constant 0 : i32
    %dma_wait3A_461 = arith.constant 0 : i32
    %dma_wait3A_462 = tpu.memref_slice %arg6[%dma_wait3A_451, %dma_wait3A_460, %dma_wait3A_461] : memref<2x512x64xf32, #tpu.memory_space<vmem>> -> memref<1x512x64xf32, #tpu.memory_space<vmem>>
    %dma_wait3A_463 = tpu.memref_squeeze %dma_wait3A_462 : memref<1x512x64xf32, #tpu.memory_space<vmem>> -> memref<512x64xf32, #tpu.memory_space<vmem>>
    tpu.wait_dma2 semaphore(%arg9 : memref<!tpu.dma_semaphore, #tpu.memory_space<semaphore_mem>>) src(%dma_wait3A_463 : memref<512x64xf32, #tpu.memory_space<vmem>>) dst(%dma_wait3A_459 : memref<512x64xf32, #tpu.memory_space<hbm>>)
    return
  }
}

module attributes {stable_mosaic.version = 14 : i64} {
  func.func @_mm_body(%arg0: memref<4096x128xf32, #tpu.memory_space<vmem>>, %arg1: memref<64x128xf32, #tpu.memory_space<vmem>>, %arg2: memref<4096x64xf32, #tpu.memory_space<vmem>>) attributes {dimension_semantics = [], scalar_prefetch = 0 : i64, scratch_operands = 0 : i64, tpu.core_type = #tpu.core_type<tc>} {
    %get3A = arith.constant 0 : index
    %get3A_0 = arith.constant 0 : index
    %get3A_1 = vector.load %arg0[%get3A, %get3A_0] : memref<4096x128xf32, #tpu.memory_space<vmem>>, vector<4096x128xf32>
    %get3A_2 = arith.constant 0 : index
    %get3A_3 = arith.constant 0 : index
    %get3A_4 = vector.load %arg1[%get3A_2, %get3A_3] : memref<64x128xf32, #tpu.memory_space<vmem>>, vector<64x128xf32>
    %dot_general3A = arith.constant dense<0.000000e+00> : vector<4096x64xf32>
    %dot_general3A_5 = tpu.matmul %get3A_1, %get3A_4, %dot_general3A {dimension_numbers = #tpu.dot_dimension_numbers<[1], [1], [0], [0], [0, 0, 1, 0], [], []>, transpose_lhs_hint = false} : vector<4096x128xf32>, vector<64x128xf32>, vector<4096x64xf32> -> vector<4096x64xf32>
    %swap3A = arith.constant 0 : index
    %swap3A_6 = arith.constant 0 : index
    %swap3A_7 = vector.load %arg2[%swap3A, %swap3A_6] : memref<4096x64xf32, #tpu.memory_space<vmem>>, vector<4096x64xf32>
    tpu.vector_store %arg2[%swap3A, %swap3A_6], %dot_general3A_5 {strides = array<i32>} : memref<4096x64xf32, #tpu.memory_space<vmem>>, vector<4096x64xf32>,
    return
  }
}

</mosaic_0001>

<sc_bundles>
// kernel: kernel.4.cloned.1.call-start
scs
__scs_entry_jumppad:
0x0: {  	(pc) =	sbr.rel $0x88, $3  }
0x1: {  	(tag) =	ssettag $0x0;
	lr =	simm.s32 $0x1  }
0x2: {  	[smem:$0x3F9D] =	sst lr;
	_ =	strace $0xD0000000  }
0x3: {  	_ = 	snop  }
0x4: {  	_ = 	snop  }
0x5: {  	_ = 	snop  }
0x6: {  	_ = 	snop  }
0x7: {  	_ = 	snop  }
__scs_overlays_trampoline_lowered:
0x8: {  	[smem:$0x3FAC] =	sst s0  }
0x9: {  	[smem:$0x3FAD] =	sst s1  }
0xa: {  	[smem:$0x3FAE] =	sst s2  }
0xb: {  	[smem:$0x3FAF] =	sst s3  }
0xc: {  	[smem:$0x3FB0] =	sst s4  }
0xd: {  	[smem:$0x3FB1] =	sst s5  }
0xe: {  	[smem:$0x3FB2] =	sst s6  }
0xf: {  	[smem:$0x3FB3] =	sst s7  }
0x10: {  	[smem:$0x3FB4] =	sst s8  }
0x11: {  	[smem:$0x3FB5] =	sst s9;
	s0 =	simm.s32 @!p0 $0x0  }
0x12: {  	s1 =	sld [smem:$0x3F9B];
	s0 =	simm.s32 @p0 $0x1  }
0x13: {  	[smem:$0x3FB6] =	sst s0;
	s0 =	simm.s32 @!p1 $0x0  }
0x14: {  	s2 =	sld [smem:$0x3F9A];
	s0 =	simm.s32 @p1 $0x1  }
0x15: {  	[smem:$0x3FB7] =	sst s0;
	s0 =	simm.s32 @!p2 $0x0  }
0x16: {  	s3 =	sld [smem:$0x3FDB];
	s0 =	simm.s32 @p2 $0x1  }
0x17: {  	s4 =	simm.s32 $0x1BF5;
	[smem:$0x3FB9] =	sst s0  }
0x18: {  	s0 =	sld [smem:$0x3F9C];
	_ =	swait.ge [sflag:s4], $0x0  }
0x19: {  	s7 =	sld [smem:$0x3F9D]  }
0x1a: {  	s8 =	sadd.s32 $0xFFFFE003, lr  }
0x1b: {  	s9 =	sadd.s32 $0xFFFFFEF7, lr;
	s5 =	simm.s32 $0xFFFFFFFF;
	p2 =	slt.u32 s8, $0xFFFFF086  }
0x1c: {  	p1 =	slt.u32 s9, $0xF7A;
	s5 =	simm.s32 @!p2 $0x0  }
0x1d: {  	s5 =	simm.s32 @p1 $0x1;
	p0 =	seq.s32 s7, s2  }
0x1e: {  	s7 =	smul.u32 @!p0 $0xF7A, s2;
	p2 =	seq.s32 @!p0 s5, $0x0  }
0x1f: {  	s9 =	smul.u32 $0xF7A, s1;
	s8 =	simm.s32 @!p0 $0x1BF5;
	p2 =	por !p2, p0  }
0x20: {  	[sflag:s8] =	ssyncset.s32 @!p0 $0xFFFFF086;
	s6 =	sadd.s32 @!p0 s3, s7;
	s7 =	simm.s32 @!p0 $0x108  }
0x21: {  	s3 =	sadd.s32 s3, s9;
	s6 =	sadd.s32 @!p0 $0x88, s6;
	s7 =	simm.s32 @p2 $0x1082  }
0x22: {  	[simem:s7], [sflag:s8] =	dma.local @!p0 [hbm:s6], $0xF7A  }
0x23: {  	s9 =	sor.u32 $0xD0000000, s2;
	s6 =	simm.s32 $0x108;
	_ =	swait.ge @!p0 [sflag:s8], $0x0  }
0x24: {  	s3 =	sadd.s32 $0x88, s3;
	s6 =	simm.s32 @!p1 $0x1082;
	[sflag:s4] =	ssyncset.s32 $0xFFFFF086  }
0x25: {  	[simem:s6], [sflag:s4] =	dma.local [hbm:s3], $0xF7A  }
0x26: {  	[smem:$0x3F9D] =	sst s1;
	(tag) =	ssettag s2;
	_ =	strace s9  }
0x27: {  	s1 =	sld [smem:$0x3FAD]  }
0x28: {  	s2 =	sld [smem:$0x3FAE]  }
0x29: {  	s4 =	sld [smem:$0x3FB0]  }
0x2a: {  	p0 =	seq.s32 s5, $0x0;
	s5 =	sld [smem:$0x3FB1]  }
0x2b: {  	s6 =	sld [smem:$0x3FB2]  }
0x2c: {  	s7 =	sld [smem:$0x3FB3]  }
0x2d: {  	s3 =	simm.s32 $0x108;
	s8 =	sld [smem:$0x3FB4]  }
0x2e: {  	s3 =	simm.s32 @!p0 $0x1082;
	s9 =	sld [smem:$0x3FB5]  }
0x2f: {  	lr =	sadd.s32 s0, s3;
	s0 =	sld [smem:$0x3FAC]  }
0x30: {  	s3 =	sld [smem:$0x3FAF]  }
0x31: {  	[smem:$0x3FB8] =	sst s10  }
0x32: {  	s10 =	sld [smem:$0x3FB6];
	_ =	sdelay $0x3  }
0x33: {  	p0 =	seq.s32 s10, $0x1;
	s10 =	sld [smem:$0x3FB8];
	_ =	sdelay $0x3  }
0x34: {  	[smem:$0x3FB8] =	sst s10  }
0x35: {  	s10 =	sld [smem:$0x3FB7];
	_ =	sdelay $0x3  }
0x36: {  	p1 =	seq.s32 s10, $0x1;
	s10 =	sld [smem:$0x3FB8];
	_ =	sdelay $0x3  }
0x37: {  	[smem:$0x3FB8] =	sst s10  }
0x38: {  	s10 =	sld [smem:$0x3FB9]  }
0x39: {  	_ = 	snop;
	(pc) =	sbr.ind lr, $3  }
0x3a: {  	_ = 	snop  }
0x3b: {  	_ = 	snop  }
0x3c: {  	p2 =	seq.s32 s10, $0x1;
	s10 =	sld [smem:$0x3FB8]  }
0x3d: {  	_ =	shalt  }
0x3e: {  	_ =	shalt  }
0x3f: {  	_ =	shalt  }
0x40: {  	_ =	shalt  }
0x41: {  	_ =	shalt  }
0x42: {  	_ =	shalt  }
0x43: {  	_ =	shalt  }
0x44: {  	_ =	shalt  }
0x45: {  	_ =	shalt  }
0x46: {  	_ =	shalt  }
0x47: {  	_ =	shalt  }
0x48: {  	_ =	shalt  }
0x49: {  	_ =	shalt  }
0x4a: {  	_ =	shalt  }
0x4b: {  	_ =	shalt  }
0x4c: {  	_ =	shalt  }
0x4d: {  	_ =	shalt  }
0x4e: {  	_ =	shalt  }
0x4f: {  	_ =	shalt  }
0x50: {  	_ =	shalt  }
0x51: {  	_ =	shalt  }
0x52: {  	_ =	shalt  }
0x53: {  	_ =	shalt  }
0x54: {  	_ =	shalt  }
0x55: {  	_ =	shalt  }
0x56: {  	_ =	shalt  }
0x57: {  	_ =	shalt  }
0x58: {  	_ =	shalt  }
0x59: {  	_ =	shalt  }
0x5a: {  	_ =	shalt  }
0x5b: {  	_ =	shalt  }
0x5c: {  	_ =	shalt  }
0x5d: {  	_ =	shalt  }
0x5e: {  	_ =	shalt  }
0x5f: {  	_ =	shalt  }
0x60: {  	_ =	shalt  }
0x61: {  	_ =	shalt  }
0x62: {  	_ =	shalt  }
0x63: {  	_ =	shalt  }
0x64: {  	_ =	shalt  }
0x65: {  	_ =	shalt  }
0x66: {  	_ =	shalt  }
0x67: {  	_ =	shalt  }
0x68: {  	_ =	shalt  }
0x69: {  	_ =	shalt  }
0x6a: {  	_ =	shalt  }
0x6b: {  	_ =	shalt  }
0x6c: {  	_ =	shalt  }
0x6d: {  	_ =	shalt  }
0x6e: {  	_ =	shalt  }
0x6f: {  	_ =	shalt  }
0x70: {  	_ =	shalt  }
0x71: {  	_ =	shalt  }
0x72: {  	_ =	shalt  }
0x73: {  	_ =	shalt  }
0x74: {  	_ =	shalt  }
0x75: {  	_ =	shalt  }
0x76: {  	_ =	shalt  }
0x77: {  	_ =	shalt  }
0x78: {  	_ =	shalt  }
0x79: {  	_ =	shalt  }
0x7a: {  	_ =	shalt  }
0x7b: {  	_ =	shalt  }
0x7c: {  	_ =	shalt  }
0x7d: {  	_ =	shalt  }
0x7e: {  	_ =	shalt  }
0x7f: {  	_ =	shalt  }
0x80: {  	_ =	shalt  }
0x81: {  	_ =	shalt  }
0x82: {  	_ =	shalt  }
0x83: {  	_ =	shalt  }
0x84: {  	_ =	shalt  }
0x85: {  	_ =	shalt  }
0x86: {  	_ =	shalt  }
0x87: {  	_ =	shalt  }
.Lfunc_end0:
.L_simem_size_0:
called_computation.1_lowered:
.L_overlay_start_0:
0x88: {  	s2 =	sld [smem:$0x3FD9]  }
0x89: {  	s3 =	sld [smem:$0x3FFE];
	_ =	sdelay $0x1  }
0x8a: {  	s1 =	srdreg.scid  }
0x8b: {  	s0 =	sand.u32 $0x1, s1  }
0x8c: {  	s14 =	sshll.u32 s0, $0xA;
	s2 =	sadd.s32 s3, s2  }
0x8d: {  	s2 =	sadd.s32 s2, s14  }
0x8e: {  	[smem:$0x3FC4] =	sst s2  }
0x8f: {  	_ = 	snop  }
0x90: {  	s2 =	sld [smem:$0x3FD0];
	_ =	sdelay $0x2  }
0x91: {  	s15 =	simm.s32 $0xA;
	s4 =	simm.s32 $0x10  }
0x92: {  	[smem:s4], [sflag:s15] =	dma.local [hbm:s2], $0x1  }
0x93: {  	_ =	swait.eq [sflag:s15], $0x1  }
0x94: {  	[sflag:s15] =	ssyncset.done $0x0  }
0x95: {  	[sflag:s15] =	ssyncadd.s32 $0xFFFFFFFF  }
0x96: {  	s16 =	sld [smem:$0x10];
	(tm) =	ssettm $0x1  }
0x97: {  	s17 =	sld [smem:$0x3FFB];
	_ =	sdelay $0x3  }
0x98: {  	_ =	strace s17  }
0x99: {  	s3 =	sld [smem:$0x3FFC];
	_ =	sdelay $0x3  }
0x9a: {  	_ =	strace s3  }
0x9b: {  	s3 =	sld [smem:$0x3FFD];
	_ =	sdelay $0x3  }
0x9c: {  	_ =	strace s3  }
0x9d: {  	_ =	strace $0x8FFFFFFF  }
0x9e: {  	s18 =	sld [smem:$0x3FDB];
	_ =	sdelay $0x1  }
0x9f: {  	s19 =	simm.s32 $_scs_section_size  }
0xa0: {  	s5 =	simm.s32 $_size__tile_overlayer_lowered;
	s6 =	simm.s32 $_tile_overlayer_lowered  }
0xa1: {  	s22 =	simm.s32 $0x1BFF;
	s21 =	sshll.u32 s6, $0x1;
	s3 =	sadd.s32 s19, s18  }
0xa2: {  	s7 =	simm.s32 $0x0;
	s20 =	sshll.u32 s5, $0x1;
	s5 =	sadd.s32 s21, s3  }
0xa3: {  	[timem:s7], [sflag:s22] =	dma.local [hbm:s5], s20  }
0xa4: {  	_ =	swait.ge [sflag:s22], s20  }
0xa5: {  	s4 =	ssub.s32 $0x0, s20;
	[sflag:s22] =	ssyncset.done $0x0  }
0xa6: {  	[sflag:s22] =	ssyncadd.s32 s4;
	_ =	sdelay $0x1  }
0xa7: {  	s23 =	simm.s32 $0x1B8B  }
0xa8: {  	_ =	swait.ge [sflag:s23], $0x1  }
0xa9: {  	[sflag:s23] =	ssyncset.done $0x0  }
0xaa: {  	s25 =	simm.s32 $0x1B8E;
	s24 =	sld [smem:$0x3FFE];
	[sflag:s23] =	ssyncadd.s32 $0xFFFFFFFF  }
0xab: {  	s26 =	simm.s32 $execute0_lowered;
	[smem:$0x3FD2] =	sst s25  }
0xac: {  	s5 =	sshll.u32 s26, $0x1;
	_ =	strace $0x80000046;
	[dreg:$0x1] =	wrdreg $0xFFFFFFFF  }
0xad: {  	s28 =	simm.s32 $_size_execute0_lowered;
	s3 =	sadd.s32 s3, s5;
	[dreg:$0x0] =	wrdreg $0x0  }
0xae: {  	s5 =	sshll.u32 s28, $0x1;
	[dreg:$0x2] =	wrdreg s3  }
0xaf: {  	[dreg:$0x3] =	wrdreg s5  }
0xb0: {  	[dreg:$0x4] =	wrdreg $0xC0  }
0xb1: {  	_ =	task [dreg:s7], $0x5FFFF  }
0xb2: {  	[dreg:$0x1] =	wrdreg $0xFFFFFFFF  }
0xb3: {  	[dreg:$0x0] =	wrdreg $0x60  }
0xb4: {  	[dreg:$0x2] =	wrdreg s24  }
0xb5: {  	[dreg:$0x3] =	wrdreg s16  }
0xb6: {  	[dreg:$0x4] =	wrdreg $0x9  }
0xb7: {  	_ =	task.clear_ibuf [dreg:s7], $0x5FFFF;
	_ =	strace $0x90000046  }
0xb8: {  	s29 =	simm.s32 $0x9;
	_ =	strace $0x80000048  }
0xb9: {  	_ =	swait.ge [sflag:s29], $0x1  }
0xba: {  	[sflag:s29] =	ssyncadd.s32 $0xFFFFFFFF  }
0xbb: {  	_ =	strace $0x90000048  }
0xbc: {  	_ =	sfence  }
0xbd: {  	s30 =	sld [smem:$0x0];
	_ =	sdelay $0x2  }
0xbe: {  	s31 =	sshll.u32 s1, $0xD;
	s1 =	sshrl.u32 s1, $0x2  }
0xbf: {  	s3 =	sand.u32 $0x4000, s31;
	s1 =	sadd.s32 s1, s30  }
0xc0: {  	s0 =	sor.u32 s3, s0;
	s1 =	sshll.u32 s1, $0x11  }
0xc1: {  	s0 =	sor.u32 s1, s0  }
0xc2: {  	s0 =	sadd.s32 $0x8F2B, s0  }
0xc3: {  	[sflag:s0] =	ssyncadd.remote.s32 $0x1  }
0xc4: {  	_ =	sfence.sel $0xFFFF  }
0xc5: {  	[dreg:$0x0] =	wrdreg $0xFFFFFFFF;
	(pc) =	sbr.abs _section_cstart, $3  }
0xc6: {  	[dreg:$0x1] =	wrdreg $0xFFFFFFFF  }
0xc7: {  	_ =	task.clear_ibuf [dreg:s7], $0x2FFFF;
	_ =	strace $0x9FFFFFFF  }
0xc8: {  	(tm) =	ssettm $0x7FFFFFFF  }
0xc9: {  	_ =	shalt  }
tec
execute0_lowered:
.L_overlay_start_1:
0x0: {  	(tag) =	ssettag $0x1  }
0x1: {  	s0 =	rddreg [dreg:$0x0]  }
0x2: {  	s1 =	srdreg.scid;
	s11 =	stileid.u32  }
0x3: {  	s8 =	rddreg [dreg:$0x1];
	s2 =	simm.s32 $0x0;
	s13 =	simm.s32 $0x80  }
0x4: {  	s14 =	simm.s32 $0x2800;
	s16 =	simm.s32 $0x4800;
	s18 =	simm.s32 $0x6800  }
0x5: {  	s20 =	simm.s32 $0x1;
	s22 =	simm.s32 $0x8800;
	s24 =	simm.s32 $0xA800  }
0x6: {  	s29 =	simm.s32 $0xE800;
	s30 =	simm.s32 $0x2;
	s7 =	smul.u32 $0xC800, s11  }
0x7: {  	s1 =	sand.u32 $0x1, s1;
	s3 =	sshll.u32 s11, $0x1;
	s11 =	smul.u32 $0x190, s11  }
0x8: {  	s31 =	simm.s32 $0x800;
	[smem:$0x7FF] =	sst s2;
	s10 =	smul.u32 $0x6400, s1  }
0x9: {  	s3 =	sor.u32 s1, s3;
	s6 =	ssub.s32 $0x2, s1;
	s1 =	smul.u32 $0xC8, s1  }
0xa: {  	s4 =	sadd.s32 $0xF43200, s0;
	s12 =	sadd.s32 $0x1000, s8;
	s5 =	smul.u32 $0xC80, s3  }
0xb: {  	_ =	strace $0x80000047;
	s9 =	smul.u32 $0x32000, s3;
	s26 =	sshrl.u32 s6, $0x1  }
0xc: {  	s3 =	sadd.s32 $0xE00, s0;
	s0 =	ssub.s32 s6, s26;
	s10 =	sadd.s32 s10, s7  }
0xd: {  	s1 =	sadd.s32 s1, s11;
	s26 =	simm.s32 $0xC800;
	s5 =	sadd.s32 s3, s5  }
0xe: {  	s7 =	sadd.s32 s8, s9;
	s10 =	sshll.u32 s10, $0x3;
	s8 =	sadd.s32 s9, s12  }
0xf: {  	s9 =	smax.u32 s0, $0x1;
	s6 =	sadd.s32 $0x10, s1;
	s1 =	simm.s32 $0x3  }
0x10: {  	s0 =	simm.s32 $0x0;
	s28 =	sadd.s32 $0x80, s5;
	s10 =	sadd.s32 s12, s10  }
0x11: {  	s12 =	simm.s32 $0x4;
	[dreg:$0x3] =	wrdreg s28;
	s21 =	sadd.s32 $0x2000, s10  }
.LBB2_1:
0x12: {  	[tilespmem:s2], [sflag:$0x4] =	stream.linear.gather [hbm4b:s5+s2], $0x400, $0x38;
	[tilespmem:$0x10800] =	vst v63  }
0x13: {  	_ =	swait.ge [sflag:s12], $0x400  }
0x14: {  	[sflag:s12] =	ssyncset.done $0x0  }
0x15: {  	[sflag:s12] =	ssyncadd.s32 $0xFFFFFC00  }
0x16: {  	[tilespmem:s31], [sflag:$0x1] =	stream.indirect.gather [hbm4b:s4+s13], $0x40, s2, s13, $0xb8;
	[tilespmem:$0x10800] =	vst v63  }
0x17: {  	_ = 	snop  }
0x18: {  	[tilespmem:s14], [sflag:$0x1] =	stream.indirect.gather [hbm4b:s4+s13], $0x40, s13, s13, $0xb8;
	[tilespmem:$0x10800] =	vst v63  }
0x19: {  	s10 =	simm.s32 $0x100  }
0x1a: {  	[tilespmem:s16], [sflag:$0x1] =	stream.indirect.gather [hbm4b:s4+s13], $0x40, s10, s13, $0xb8;
	[tilespmem:$0x10800] =	vst v63  }
0x1b: {  	s25 =	simm.s32 $0x180  }
0x1c: {  	[tilespmem:s18], [sflag:$0x1] =	stream.indirect.gather [hbm4b:s4+s13], $0x40, s25, s13, $0xb8;
	[tilespmem:$0x10800] =	vst v63  }
0x1d: {  	s11 =	simm.s32 $0x400;
	s28 =	rddreg [dreg:$0x3]  }
0x1e: {  	[tilespmem:s11], [sflag:$0x4] =	stream.linear.gather [hbm4b:s28+s2], $0x400, $0x38;
	[tilespmem:$0x10800] =	vst v63  }
0x1f: {  	_ =	swait.ge [sflag:s20], $0x2000  }
0x20: {  	[sflag:s20] =	ssyncset.done $0x0  }
0x21: {  	[sflag:s20] =	ssyncadd.s32 $0xFFFFE000  }
0x22: {  	_ =	swait.ge [sflag:s20], $0x2000  }
0x23: {  	[sflag:s20] =	ssyncset.done $0x0  }
0x24: {  	[sflag:s20] =	ssyncadd.s32 $0xFFFFE000  }
0x25: {  	_ =	swait.ge [sflag:s20], $0x2000  }
0x26: {  	[sflag:s20] =	ssyncset.done $0x0  }
0x27: {  	[sflag:s20] =	ssyncadd.s32 $0xFFFFE000  }
0x28: {  	_ =	swait.ge [sflag:s20], $0x2000  }
0x29: {  	[sflag:s20] =	ssyncset.done $0x0  }
0x2a: {  	[sflag:s20] =	ssyncadd.s32 $0xFFFFE000  }
0x2b: {  	[hbm4b:s7+s2] =	stream.linear.scatter [tilespmem:s31], [sflag:$0x2], $0x8000, $0x38;
	[tilespmem:$0x10800] =	vst v63  }
0x2c: {  	s15 =	simm.s32 $0x200  }
0x2d: {  	[tilespmem:s22], [sflag:$0x1] =	stream.indirect.gather [hbm4b:s4+s13], $0x40, s15, s13, $0xb8;
	[tilespmem:$0x10800] =	vst v63  }
0x2e: {  	s17 =	simm.s32 $0x280  }
0x2f: {  	[tilespmem:s24], [sflag:$0x1] =	stream.indirect.gather [hbm4b:s4+s13], $0x40, s17, s13, $0xb8;
	[tilespmem:$0x10800] =	vst v63  }
0x30: {  	s19 =	simm.s32 $0x300  }
0x31: {  	[tilespmem:s26], [sflag:$0x1] =	stream.indirect.gather [hbm4b:s4+s13], $0x40, s19, s13, $0xb8;
	[tilespmem:$0x10800] =	vst v63  }
0x32: {  	s23 =	simm.s32 $0x380  }
0x33: {  	[tilespmem:s29], [sflag:$0x1] =	stream.indirect.gather [hbm4b:s4+s13], $0x40, s23, s13, $0xb8;
	[tilespmem:$0x10800] =	vst v63  }
0x34: {  	_ =	swait.ge [sflag:s20], $0x2000  }
0x35: {  	[sflag:s20] =	ssyncset.done $0x0  }
0x36: {  	[sflag:s20] =	ssyncadd.s32 $0xFFFFE000  }
0x37: {  	_ =	swait.ge [sflag:s20], $0x2000  }
0x38: {  	[sflag:s20] =	ssyncset.done $0x0  }
0x39: {  	[sflag:s20] =	ssyncadd.s32 $0xFFFFE000  }
0x3a: {  	_ =	swait.ge [sflag:s20], $0x2000  }
0x3b: {  	[sflag:s20] =	ssyncset.done $0x0  }
0x3c: {  	[sflag:s20] =	ssyncadd.s32 $0xFFFFE000  }
0x3d: {  	_ =	swait.ge [sflag:s20], $0x2000  }
0x3e: {  	[sflag:s20] =	ssyncset.done $0x0  }
0x3f: {  	[sflag:s20] =	ssyncadd.s32 $0xFFFFE000  }
0x40: {  	[hbm4b:s8+s2] =	stream.linear.scatter [tilespmem:s22], [sflag:$0x3], $0x8000, $0x38;
	[tilespmem:$0x10800] =	vst v63  }
0x41: {  	_ =	swait.ge [sflag:s12], $0x400  }
0x42: {  	[sflag:s12] =	ssyncset.done $0x0  }
0x43: {  	[sflag:s12] =	ssyncadd.s32 $0xFFFFFC00  }
0x44: {  	_ =	swait.ge [sflag:s30], $0x8000  }
0x45: {  	s25 =	simm.s32 $0x400;
	[sflag:s30] =	ssyncset.done $0x0  }
0x46: {  	s10 =	sand.u32 $0x400, s25;
	[sflag:s30] =	ssyncadd.s32 $0xFFFF8000  }
0x47: {  	[tilespmem:s31], [sflag:$0x1] =	stream.indirect.gather [hbm4b:s4+s13], $0x40, s10, s13, $0xb8;
	[tilespmem:$0x10800] =	vst v63  }
0x48: {  	p0 =	slt.s32 s6, $0x18F8;
	s28 =	sor.u32 $0x80, s10;
	s11 =	smov.u32 s6  }
0x49: {  	[tilespmem:s14], [sflag:$0x1] =	stream.indirect.gather [hbm4b:s4+s13], $0x40, s28, s13, $0xb8;
	[tilespmem:$0x10800] =	vst v63  }
0x4a: {  	s11 =	simm.s32 @!p0 $0x18F8;
	s15 =	sor.u32 $0x100, s10  }
0x4b: {  	[tilespmem:s16], [sflag:$0x1] =	stream.indirect.gather [hbm4b:s4+s13], $0x40, s15, s13, $0xb8;
	[tilespmem:$0x10800] =	vst v63  }
0x4c: {  	s11 =	sshll.u32 s11, $0x4;
	s15 =	sor.u32 $0x180, s10  }
0x4d: {  	[tilespmem:s18], [sflag:$0x1] =	stream.indirect.gather [hbm4b:s4+s13], $0x40, s15, s13, $0xb8;
	[tilespmem:$0x10800] =	vst v63  }
0x4e: {  	s11 =	sadd.s32 s3, s11;
	s17 =	sand.u32 $0x400, s31  }
0x4f: {  	[tilespmem:s17], [sflag:$0x4] =	stream.linear.gather [hbm4b:s11+s2], $0x400, $0x38;
	[tilespmem:$0x10800] =	vst v63  }
0x50: {  	_ =	swait.ge [sflag:s20], $0x2000  }
0x51: {  	[sflag:s20] =	ssyncset.done $0x0  }
0x52: {  	[sflag:s20] =	ssyncadd.s32 $0xFFFFE000  }
0x53: {  	_ =	swait.ge [sflag:s20], $0x2000  }
0x54: {  	[sflag:s20] =	ssyncset.done $0x0  }
0x55: {  	[sflag:s20] =	ssyncadd.s32 $0xFFFFE000  }
0x56: {  	_ =	swait.ge [sflag:s20], $0x2000  }
0x57: {  	[sflag:s20] =	ssyncset.done $0x0  }
0x58: {  	[sflag:s20] =	ssyncadd.s32 $0xFFFFE000  }
0x59: {  	_ =	swait.ge [sflag:s20], $0x2000  }
0x5a: {  	[sflag:s20] =	ssyncset.done $0x0  }
0x5b: {  	s19 =	sadd.s32 $0xFFFFF000, s21;
	[sflag:s20] =	ssyncadd.s32 $0xFFFFE000  }
0x5c: {  	[hbm4b:s19+s2] =	stream.linear.scatter [tilespmem:s31], [sflag:$0x2], $0x8000, $0x38;
	[tilespmem:$0x10800] =	vst v63  }
0x5d: {  	_ =	swait.ge [sflag:s1], $0x8000  }
0x5e: {  	[sflag:s1] =	ssyncset.done $0x0  }
0x5f: {  	s23 =	sor.u32 $0x200, s10;
	[sflag:s1] =	ssyncadd.s32 $0xFFFF8000  }
0x60: {  	[tilespmem:s22], [sflag:$0x1] =	stream.indirect.gather [hbm4b:s4+s13], $0x40, s23, s13, $0xb8;
	[tilespmem:$0x10800] =	vst v63  }
0x61: {  	s25 =	sor.u32 $0x280, s10  }
0x62: {  	[tilespmem:s24], [sflag:$0x1] =	stream.indirect.gather [hbm4b:s4+s13], $0x40, s25, s13, $0xb8;
	[tilespmem:$0x10800] =	vst v63  }
0x63: {  	s28 =	sor.u32 $0x300, s10  }
0x64: {  	[tilespmem:s26], [sflag:$0x1] =	stream.indirect.gather [hbm4b:s4+s13], $0x40, s28, s13, $0xb8;
	[tilespmem:$0x10800] =	vst v63  }
0x65: {  	s10 =	sor.u32 $0x380, s10  }
0x66: {  	[tilespmem:s29], [sflag:$0x1] =	stream.indirect.gather [hbm4b:s4+s13], $0x40, s10, s13, $0xb8;
	[tilespmem:$0x10800] =	vst v63  }
0x67: {  	_ =	swait.ge [sflag:s20], $0x2000  }
0x68: {  	[sflag:s20] =	ssyncset.done $0x0  }
0x69: {  	[sflag:s20] =	ssyncadd.s32 $0xFFFFE000  }
0x6a: {  	_ =	swait.ge [sflag:s20], $0x2000  }
0x6b: {  	[sflag:s20] =	ssyncset.done $0x0  }
0x6c: {  	[sflag:s20] =	ssyncadd.s32 $0xFFFFE000  }
0x6d: {  	_ =	swait.ge [sflag:s20], $0x2000  }
0x6e: {  	[sflag:s20] =	ssyncset.done $0x0  }
0x6f: {  	[sflag:s20] =	ssyncadd.s32 $0xFFFFE000  }
0x70: {  	s15 =	simm.s32 $0xC00;
	s17 =	smov.u32 s6;
	_ =	swait.ge [sflag:s20], $0x2000  }
0x71: {  	s11 =	smov.u32 s21;
	s19 =	smov.u32 s21;
	[sflag:s20] =	ssyncset.done $0x0  }
.LBB2_2:
0x72: {  	[sflag:s20] =	ssyncadd.s32 $0xFFFFE000  }
0x73: {  	s17 =	sadd.s32 $0x8, s17;
	s11 =	sadd.s32 $0x2000, s11;
	s25 =	smov.u32 s15  }
0x74: {  	[hbm4b:s19+s2] =	stream.linear.scatter [tilespmem:s22], [sflag:$0x3], $0x8000, $0x38;
	[tilespmem:$0x10800] =	vst v63  }
0x75: {  	p0 =	sne.s32 s15, $0x6400;
	s15 =	sadd.s32 $0x400, s15;
	_ =	swait.ge [sflag:s12], $0x400  }
0x76: {  	s19 =	smov.u32 s11;
	[sflag:s12] =	ssyncset.done $0x0  }
0x77: {  	[sflag:s12] =	ssyncadd.s32 $0xFFFFFC00  }
0x78: {  	_ =	swait.ge [sflag:s30], $0x8000  }
0x79: {  	s23 =	sadd.s32 $0xFFFFFC00, s25;
	[sflag:s30] =	ssyncset.done $0x0  }
0x7a: {  	s23 =	sand.u32 $0x400, s23;
	[sflag:s30] =	ssyncadd.s32 $0xFFFF8000  }
0x7b: {  	[tilespmem:s31], [sflag:$0x1] =	stream.indirect.gather [hbm4b:s4+s13], $0x40, s23, s13, $0xb8;
	[tilespmem:$0x10800] =	vst v63  }
0x7c: {  	s28 =	sor.u32 $0x80, s23  }
0x7d: {  	[tilespmem:s14], [sflag:$0x1] =	stream.indirect.gather [hbm4b:s4+s13], $0x40, s28, s13, $0xb8;
	[tilespmem:$0x10800] =	vst v63  }
0x7e: {  	p1 =	slt.s32 s17, $0x18F8;
	s10 =	smov.u32 s17;
	s28 =	sor.u32 $0x100, s23  }
0x7f: {  	[tilespmem:s16], [sflag:$0x1] =	stream.indirect.gather [hbm4b:s4+s13], $0x40, s28, s13, $0xb8;
	[tilespmem:$0x10800] =	vst v63  }
0x80: {  	s10 =	simm.s32 @!p1 $0x18F8;
	s28 =	sor.u32 $0x180, s23  }
0x81: {  	[tilespmem:s18], [sflag:$0x1] =	stream.indirect.gather [hbm4b:s4+s13], $0x40, s28, s13, $0xb8;
	[tilespmem:$0x10800] =	vst v63  }
0x82: {  	s25 =	sand.u32 $0x400, s25;
	s10 =	sshll.u32 s10, $0x4  }
0x83: {  	s10 =	sadd.s32 s3, s10  }
0x84: {  	[tilespmem:s25], [sflag:$0x4] =	stream.linear.gather [hbm4b:s10+s2], $0x400, $0x38;
	[tilespmem:$0x10800] =	vst v63  }
0x85: {  	_ =	swait.ge [sflag:s20], $0x2000  }
0x86: {  	[sflag:s20] =	ssyncset.done $0x0  }
0x87: {  	[sflag:s20] =	ssyncadd.s32 $0xFFFFE000  }
0x88: {  	_ =	swait.ge [sflag:s20], $0x2000  }
0x89: {  	[sflag:s20] =	ssyncset.done $0x0  }
0x8a: {  	[sflag:s20] =	ssyncadd.s32 $0xFFFFE000  }
0x8b: {  	_ =	swait.ge [sflag:s20], $0x2000  }
0x8c: {  	[sflag:s20] =	ssyncset.done $0x0  }
0x8d: {  	[sflag:s20] =	ssyncadd.s32 $0xFFFFE000  }
0x8e: {  	_ =	swait.ge [sflag:s20], $0x2000  }
0x8f: {  	s10 =	sadd.s32 $0xFFFFF000, s11;
	[sflag:s20] =	ssyncset.done $0x0  }
0x90: {  	[sflag:s20] =	ssyncadd.s32 $0xFFFFE000  }
0x91: {  	[hbm4b:s10+s2] =	stream.linear.scatter [tilespmem:s31], [sflag:$0x2], $0x8000, $0x38;
	[tilespmem:$0x10800] =	vst v63  }
0x92: {  	_ =	swait.ge [sflag:s1], $0x8000  }
0x93: {  	s10 =	sor.u32 $0x200, s23;
	[sflag:s1] =	ssyncset.done $0x0  }
0x94: {  	s25 =	sor.u32 $0x280, s23;
	[sflag:s1] =	ssyncadd.s32 $0xFFFF8000  }
0x95: {  	[tilespmem:s22], [sflag:$0x1] =	stream.indirect.gather [hbm4b:s4+s13], $0x40, s10, s13, $0xb8;
	[tilespmem:$0x10800] =	vst v63  }
0x96: {  	s10 =	sor.u32 $0x300, s23  }
0x97: {  	[tilespmem:s24], [sflag:$0x1] =	stream.indirect.gather [hbm4b:s4+s13], $0x40, s25, s13, $0xb8;
	[tilespmem:$0x10800] =	vst v63  }
0x98: {  	s23 =	sor.u32 $0x380, s23  }
0x99: {  	[tilespmem:s26], [sflag:$0x1] =	stream.indirect.gather [hbm4b:s4+s13], $0x40, s10, s13, $0xb8;
	[tilespmem:$0x10800] =	vst v63  }
0x9a: {  	_ = 	snop  }
0x9b: {  	[tilespmem:s29], [sflag:$0x1] =	stream.indirect.gather [hbm4b:s4+s13], $0x40, s23, s13, $0xb8;
	[tilespmem:$0x10800] =	vst v63  }
0x9c: {  	_ =	swait.ge [sflag:s20], $0x2000  }
0x9d: {  	[sflag:s20] =	ssyncset.done $0x0  }
0x9e: {  	[sflag:s20] =	ssyncadd.s32 $0xFFFFE000  }
0x9f: {  	_ =	swait.ge [sflag:s20], $0x2000  }
0xa0: {  	[sflag:s20] =	ssyncset.done $0x0  }
0xa1: {  	[sflag:s20] =	ssyncadd.s32 $0xFFFFE000  }
.Ltmp0:
0xa2: {  	_ =	swait.ge [sflag:s20], $0x2000;
	(pc) =	sbr.rel @p0 .LBB2_2-.Ltmp0, $4  }
0xa3: {  	[sflag:s20] =	ssyncset.done $0x0  }
0xa4: {  	[sflag:s20] =	ssyncadd.s32 $0xFFFFE000  }
0xa5: {  	_ =	swait.ge [sflag:s20], $0x2000  }
0xa6: {  	[sflag:s20] =	ssyncset.done $0x0  }
0xa7: {  	[sflag:s20] =	ssyncadd.s32 $0xFFFFE000  }
0xa8: {  	[hbm4b:s19+s2] =	stream.linear.scatter [tilespmem:s22], [sflag:$0x3], $0x8000, $0x38;
	[tilespmem:$0x10800] =	vst v63  }
0xa9: {  	_ =	swait.ge [sflag:s12], $0x400  }
0xaa: {  	[sflag:s12] =	ssyncset.done $0x0  }
0xab: {  	s0 =	sadd.s32 $0x1, s0;
	[sflag:s12] =	ssyncadd.s32 $0xFFFFFC00  }
0xac: {  	p0 =	sne.s32 s0, s9;
	_ =	swait.ge [sflag:s30], $0x8000  }
.Ltmp1:
0xad: {  	[sflag:s30] =	ssyncset.done $0x0;
	(pc) =	sbr.rel @p0 .LBB2_1-.Ltmp1, $4  }
0xae: {  	[sflag:s30] =	ssyncadd.s32 $0xFFFF8000  }
0xaf: {  	_ =	swait.ge [sflag:s1], $0x8000  }
0xb0: {  	[sflag:s1] =	ssyncset.done $0x0  }
0xb1: {  	[sflag:s1] =	ssyncadd.s32 $0xFFFF8000  }
0xb2: {  	_ =	sfence.sel $0x180000  }
0xb3: {  	[bflag:$0x0] =	sbarrier.arrive $0xFFFF  }
0xb4: {  	_ =	strace $0x90000047  }
0xb5: {  	s0 =	stileid.u32;
	[bflag:$0x2] =	sbarrier.arrive $0xFFFF  }
0xb6: {  	p0 =	sne.s32 s0, $0x0;
	s0 =	rddreg [dreg:$0x2]  }
0xb7: {  	s0 =	sadd.s32 @!p0 $0x100000, s0  }
0xb8: {  	[sflag:s0] =	ssyncadd.tile.s32 @!p0 $0x1;
	_ =	shalt  }
.Lfunc_end2:
_tile_overlayer_lowered:
.L_overlay_start_2:
0xb9: {  	(tag) =	ssettag $0x2  }
0xba: {  	s0 =	rddreg [dreg:$0x0];
	s2 =	stileid.u32  }
0xbb: {  	s1 =	rddreg [dreg:$0x1];
	p0 =	sne.s32 s2, $0x0  }
0xbc: {  	s3 =	rddreg [dreg:$0x2];
	[bflag:$0x3] =	sbarrier.arrive $0xFFFF;
	s2 =	simm.s32 @!p0 $0x1C05  }
0xbd: {  	[timem:s3], [sflag:s2] =	dma.local @!p0 [hbm:s0], s1  }
0xbe: {  	s0 =	simm.s32 @!p0 $0x5  }
0xbf: {  	_ =	swait.ge @!p0 [sflag:s0], s1  }
0xc0: {  	s1 =	ssub.s32 @!p0 $0x0, s1;
	[sflag:s0] =	ssyncset.done @!p0 $0x0  }
0xc1: {  	[sflag:s0] =	ssyncadd.s32 @!p0 s1  }
0xc2: {  	[bflag:$0x3] =	sbarrier.arrive $0xFFFF  }
0xc3: {  	_ =	shalt  }

// kernel: sparse-core-data-format-call.cloned.1.call-start
scs
called_computation_lowered:
.L_overlay_start_0:
0x0: {  	s2 =	sld [smem:$0x3FD9]  }
0x1: {  	s3 =	sld [smem:$0x3FFE];
	_ =	sdelay $0x1  }
0x2: {  	s1 =	srdreg.scid  }
0x3: {  	s0 =	sand.u32 $0x1, s1  }
0x4: {  	s15 =	sshll.u32 s0, $0xA;
	s2 =	sadd.s32 s3, s2  }
0x5: {  	s2 =	sadd.s32 s2, s15  }
0x6: {  	[smem:$0x3FC4] =	sst s2  }
0x7: {  	_ = 	snop  }
0x8: {  	s2 =	sld [smem:$0x3FD0];
	_ =	sdelay $0x2  }
0x9: {  	s16 =	simm.s32 $0xA;
	s4 =	simm.s32 $0x10  }
0xa: {  	[smem:s4], [sflag:s16] =	dma.local [hbm:s2], $0x1  }
0xb: {  	_ =	swait.eq [sflag:s16], $0x1  }
0xc: {  	[sflag:s16] =	ssyncset.done $0x0  }
0xd: {  	[sflag:s16] =	ssyncadd.s32 $0xFFFFFFFF  }
0xe: {  	s17 =	sld [smem:$0x10];
	(tm) =	ssettm $0x1  }
0xf: {  	s18 =	sld [smem:$0x3FFB];
	_ =	sdelay $0x3  }
0x10: {  	_ =	strace s18  }
0x11: {  	s3 =	sld [smem:$0x3FFC];
	_ =	sdelay $0x3  }
0x12: {  	_ =	strace s3  }
0x13: {  	s3 =	sld [smem:$0x3FFD];
	_ =	sdelay $0x3  }
0x14: {  	_ =	strace s3  }
0x15: {  	_ =	strace $0x8FFFFFFF  }
0x16: {  	s19 =	sld [smem:$0x3FDB];
	_ =	sdelay $0x1  }
0x17: {  	s20 =	simm.s32 $_scs_section_size  }
0x18: {  	s5 =	simm.s32 $_size__tile_overlayer_lowered;
	s6 =	simm.s32 $_tile_overlayer_lowered  }
0x19: {  	s23 =	simm.s32 $0x1BFF;
	s22 =	sshll.u32 s6, $0x1;
	s3 =	sadd.s32 s20, s19  }
0x1a: {  	s7 =	simm.s32 $0x0;
	s21 =	sshll.u32 s5, $0x1;
	s5 =	sadd.s32 s22, s3  }
0x1b: {  	[timem:s7], [sflag:s23] =	dma.local [hbm:s5], s21  }
0x1c: {  	_ =	swait.ge [sflag:s23], s21  }
0x1d: {  	s4 =	ssub.s32 $0x0, s21;
	[sflag:s23] =	ssyncset.done $0x0  }
0x1e: {  	[sflag:s23] =	ssyncadd.s32 s4;
	_ =	sdelay $0x1  }
0x1f: {  	s24 =	simm.s32 $0x1B8B  }
0x20: {  	_ =	swait.ge [sflag:s24], $0x1  }
0x21: {  	[sflag:s24] =	ssyncset.done $0x0  }
0x22: {  	s26 =	simm.s32 $0x1B8E;
	s25 =	sld [smem:$0x3FFE];
	[sflag:s24] =	ssyncadd.s32 $0xFFFFFFFF  }
0x23: {  	s27 =	simm.s32 $execute0_lowered;
	[smem:$0x3FD2] =	sst s26  }
0x24: {  	s5 =	sshll.u32 s27, $0x1;
	_ =	strace $0x80000049;
	[dreg:$0x1] =	wrdreg $0xFFFFFFFF  }
0x25: {  	s28 =	simm.s32 $_size_execute0_lowered;
	s3 =	sadd.s32 s3, s5;
	[dreg:$0x0] =	wrdreg $0x0  }
0x26: {  	s5 =	sshll.u32 s28, $0x1;
	[dreg:$0x2] =	wrdreg s3  }
0x27: {  	[dreg:$0x3] =	wrdreg s5  }
0x28: {  	[dreg:$0x4] =	wrdreg $0xC0  }
0x29: {  	_ =	task [dreg:s7], $0x5FFFF  }
0x2a: {  	[dreg:$0x1] =	wrdreg $0xFFFFFFFF  }
0x2b: {  	[dreg:$0x0] =	wrdreg $0x60  }
0x2c: {  	[dreg:$0x2] =	wrdreg s25  }
0x2d: {  	[dreg:$0x3] =	wrdreg s17  }
0x2e: {  	[dreg:$0x4] =	wrdreg $0x9  }
0x2f: {  	_ =	task.clear_ibuf [dreg:s7], $0x5FFFF;
	_ =	strace $0x90000049  }
0x30: {  	s29 =	simm.s32 $0x9;
	_ =	strace $0x8000004B  }
0x31: {  	_ =	swait.ge [sflag:s29], $0x1  }
0x32: {  	[sflag:s29] =	ssyncadd.s32 $0xFFFFFFFF  }
0x33: {  	_ =	strace $0x9000004B  }
0x34: {  	_ =	sfence  }
0x35: {  	s30 =	sld [smem:$0x0];
	_ =	sdelay $0x2  }
0x36: {  	s31 =	sshll.u32 s1, $0xD;
	s1 =	sshrl.u32 s1, $0x2  }
0x37: {  	s3 =	sand.u32 $0x4000, s31;
	s1 =	sadd.s32 s1, s30  }
0x38: {  	s0 =	sor.u32 s3, s0;
	s1 =	sshll.u32 s1, $0x11  }
0x39: {  	s0 =	sor.u32 s1, s0  }
0x3a: {  	s0 =	sadd.s32 $0x8F2B, s0  }
0x3b: {  	[sflag:s0] =	ssyncadd.remote.s32 $0x1  }
0x3c: {  	_ =	sfence.sel $0xFFFF  }
0x3d: {  	[dreg:$0x0] =	wrdreg $0xFFFFFFFF;
	(pc) =	sbr.abs _section_cstart, $3  }
0x3e: {  	[dreg:$0x1] =	wrdreg $0xFFFFFFFF  }
0x3f: {  	_ =	task.clear_ibuf [dreg:s7], $0x2FFFF;
	_ =	strace $0x9FFFFFFF  }
0x40: {  	(tm) =	ssettm $0x7FFFFFFF  }
0x41: {  	_ =	shalt  }
tec
execute0_lowered:
.L_overlay_start_1:
0x0: {  	(tag) =	ssettag $0x1  }
0x1: {  	s0 =	srdreg.scid  }
0x2: {  	s1 =	sshll.u32 s0, $0x4  }
0x3: {  	s0 =	stileid.u32;
	s1 =	sand.u32 $0x10, s1  }
0x4: {  	s1 =	sor.u32 s0, s1  }
0x5: {  	s6 =	rddreg [dreg:$0x0];
	s4 =	simm.s32 $0x1;
	s2 =	sshll.u32 s1, $0x7  }
0x6: {  	s7 =	simm.s32 $0x2;
	s12 =	simm.s32 $0x0;
	s1 =	ssub.s32 $0x1000, s2  }
0x7: {  	s8 =	simm.s32 $0x8000;
	s13 =	simm.s32 $0x0;
	s3 =	sand.u32 $0xF80, s1  }
0x8: {  	s9 =	simm.s32 $0x0;
	s5 =	sshrl.u32 s1, $0xC;
	p0 =	sne.s32 s3, $0x0  }
.Ltmp0:
0x9: {  	s1 =	rddreg [dreg:$0x2];
	s4 =	simm.s32 @!p0 $0x0;
	(pc) =	sbr.rel .LBB1_1-.Ltmp0, $4  }
0xa: {  	s11 =	simm.s32 $0x0;
	s3 =	rddreg [dreg:$0x1];
	s5 =	sadd.s32 s4, s5  }
0xb: {  	_ =	strace $0x8000004A;
	s4 =	simm.s32 $0x1;
	s5 =	smul.u32 $0xC8, s5  }
0xc: {  	s6 =	sadd.s32 $0xE00, s6;
	s10 =	smov.u32 s2;
	[sflag:s4] =	ssyncpa.u1 $0x0  }
0xd: {  	p0 =	por $0x0, $0x0;
	[sflag:s7] =	ssyncpa.u1 $0x0;
	s7 =	sor.u32 $0x1, s5  }
.LBB1_4:
0xe: {  	s16 =	sshll.u32 s13, $0x3;
	s17 =	sand.u32 $0x78, s13  }
0xf: {  	s30 =	sand.u32 $0x7E00, s13;
	s12 =	sshll.u32 s12, $0xF;
	s16 =	sand.u32 $0xC00, s16  }
0x10: {  	[tilespmem:s15+$0x810 ss:$0x81] =	vst.msk $0xffff, v2;
	s31 =	sand.u32 $0x7, s13;
	s16 =	sor.u32 s17, s16;
	s17 =	sadd.s32 s3, s30  }
0x11: {  	[tilespmem:s15+$0x1020 ss:$0x81] =	vst.msk $0xffff, v0;
	s13 =	sshll.u32 s31, $0x12;
	s12 =	sadd.s32 s12, s17;
	s16 =	sshrl.u32 s16, $0x3  }
0x12: {  	[tilespmem:s15+$0x0 ss:$0x81] =	vst.msk $0xffff, v1;
	s13 =	sor.u32 $0x400, s13;
	s12 =	sadd.s32 s16, s12  }
0x13: {  	[hbm4b:s12+s13] =	stream.strided.scatter [tilespmem:s14], [sflag:$0x2], $0x2000, s8, s13, $0x20;
	[tilespmem:$0x8080] =	vst v63  }
.LBB1_5:
0x14: {  	s14 =	sadd.s32 $0x1, s9  }
0x15: {  	s12 =	sadd.s32 $0x1000, s10;
	s16 =	smov.u32 s10;
	p2 =	sgt.s32 s14, $0xC7  }
0x16: {  	s16 =	smov.u32 @p2 s12  }
0x17: {  	s14 =	simm.s32 @p2 $0x0;
	p2 =	sgt.s32 s16, $0xFFF  }
0x18: {  	s16 =	smov.u32 @p2 s2;
	p2 =	sne.s32 s11, s7  }
.Ltmp1:
0x19: {  	p1 =	slt.u32 s11, $0x2;
	(pc) =	sbr.rel @!p2 .LBB1_6-.Ltmp1, $4  }
0x1a: {  	s15 =	simm.s32 @!p1 $0x2  }
0x1b: {  	s13 =	smov.u32 s10;
	p0 =	por !p0, !p0;
	_ =	swait.ge @!p1 [sflag:s15], $0x2000  }
0x1c: {  	s12 =	smov.u32 s9;
	[sflag:s15] =	ssyncset.done @!p1 $0x0;
	s9 =	smov.u32 s14  }
0x1d: {  	s11 =	sadd.s32 $0x1, s11;
	[sflag:s15] =	ssyncadd.s32 @!p1 $0xFFFFE000;
	s10 =	smov.u32 s16  }
.LBB1_1:
0x1e: {  	p1 =	sge.u32 s11, s5  }
0x1f: {  	s14 =	sand.u32 @!p1 $0x1FFFFFF, s9  }
0x20: {  	s15 =	smulhi.u32 @!p1 $0x147AE15, s14;
	_ =	sdelay $0x1  }
0x21: {  	s15 =	smul.u32 @!p1 $0xC8, s15  }
0x22: {  	s16 =	sxor.u32 @!p1 $0xFFFFFFFF, s11;
	s17 =	smul.u32 @!p1 $0xC80, s10  }
0x23: {  	s31 =	sadd.s32 $0xFFFFFFFF, s11;
	s16 =	sshll.u32 @!p1 s16, $0xD;
	s14 =	ssub.s32 @!p1 s14, s15  }
0x24: {  	s15 =	sand.u32 @!p1 $0x2000, s16;
	s16 =	sadd.s32 @!p1 s6, s17;
	s14 =	sshll.u32 @!p1 s14, $0x4  }
0x25: {  	s17 =	simm.s32 @!p1 $0x6400;
	s14 =	sadd.s32 @!p1 s14, s16;
	s16 =	simm.s32 @!p1 $0x40  }
0x26: {  	[tilespmem:s15], [sflag:$0x1] =	stream.strided.gather @!p1 [hbm4b:s14+s16], $0x2000, s17, s16, $0x38;
	[tilespmem:$0x8080] =	vst v63  }
0x27: {  	p1 =	sge.u32 s31, s5  }
.Ltmp2:
0x28: {  	_ = 	snop;
	(pc) =	sbr.rel @p1 .LBB1_5-.Ltmp2, $1  }
0x29: {  	_ =	sdelay $0x3  }
0x2a: {  	s14 =	simm.s32 $0x1  }
0x2b: {  	_ =	swait.ge [sflag:s4], $0x2000;
	s14 =	simm.s32 @!p0 $0x0  }
0x2c: {  	[sflag:s4] =	ssyncset.done $0x0;
	s15 =	sshll.u32 s14, $0xD  }
0x2d: {  	[sflag:s4] =	ssyncadd.s32 $0xFFFFE000;
	s18 =	sor.u32 $0x20, s15  }
0x2e: {  	s14 =	smul.u32 $0x8100, s14;
	v3 =	vld [tilespmem:s18+$0x10]  }
0x2f: {  	s30 =	sand.u32 $0x1, s11;
	v2 =	vld [tilespmem:s18+$0xFFFFFFF0]  }
0x30: {  	s15 =	smul.u32 $0x8100, s30;
	s14 =	sshrl.u32 s14, $0x2;
	v0 =	vld [tilespmem:s18+$0x0]  }
0x31: {  	v1 =	vld [tilespmem:s18+$0xFFFFFFE0];
	s16 =	sor.u32 $0x4000, s14  }
0x32: {  	s31 =	sshrl.u32 s15, $0x2;
	s15 =	sadd.s32 $0x0, s16  }
0x33: {  	s17 =	simm.s32 $0x4;
	s18 =	sadd.s32 $0x40, s18;
	s14 =	sor.u32 $0x4000, s31;
	[tilespmem:s15+$0x1830 ss:$0x81] =	vst.msk $0xffff, v3  }
.LBB1_3:
0x34: {  	v3 =	vld [tilespmem:s18+$0x10];
	p1 =	sne.s32 s17, $0x1FC;
	[tilespmem:s15+$0x810 ss:$0x81] =	vst.msk $0xffff, v2;
	s19 =	smov.u32 s17;
	s17 =	sadd.s32 $0x4, s17  }
.Ltmp3:
0x35: {  	v2 =	vld [tilespmem:s18+$0xFFFFFFF0];
	[tilespmem:s15+$0x1020 ss:$0x81] =	vst.msk $0xffff, v0;
	(pc) =	sbr.rel @p1 .LBB1_3-.Ltmp3, $4  }
0x36: {  	v0 =	vld [tilespmem:s18+$0x0];
	[tilespmem:s15+$0x0 ss:$0x81] =	vst.msk $0xffff, v1  }
0x37: {  	s15 =	sshra.s32 s19, $0x2;
	v1 =	vld [tilespmem:s18+$0xFFFFFFE0]  }
0x38: {  	s15 =	sadd.s32 s15, s16  }
0x39: {  	s18 =	sadd.s32 $0x40, s18;
	[tilespmem:s15+$0x1830 ss:$0x81] =	vst.msk $0xffff, v3  }
.Ltmp4:
0x3a: {  	_ = 	snop;
	(pc) =	sbr.rel .LBB1_4-.Ltmp4, $1  }
0x3b: {  	_ =	sdelay $0x3  }
.LBB1_6:
0x3c: {  	_ =	sfence.sel $0x180000  }
0x3d: {  	s2 =	simm.s32 $0x1;
	[bflag:$0x0] =	sbarrier.arrive $0xFFFF  }
0x3e: {  	s31 =	simm.s32 $0x2;
	[sflag:s2] =	ssyncpa.u1 $0x1  }
0x3f: {  	[sflag:s31] =	ssyncpa.u1 $0x1  }
0x40: {  	p0 =	sne.s32 s0, $0x0;
	_ =	strace $0x9000004A  }
0x41: {  	s0 =	sadd.s32 @!p0 $0x100000, s1;
	[bflag:$0x2] =	sbarrier.arrive $0xFFFF  }
0x42: {  	[sflag:s0] =	ssyncadd.tile.s32 @!p0 $0x1;
	_ =	shalt  }
.Lfunc_end1:
_tile_overlayer_lowered:
.L_overlay_start_2:
0x43: {  	(tag) =	ssettag $0x2  }
0x44: {  	s0 =	rddreg [dreg:$0x0];
	s2 =	stileid.u32  }
0x45: {  	s1 =	rddreg [dreg:$0x1];
	p0 =	sne.s32 s2, $0x0  }
0x46: {  	s3 =	rddreg [dreg:$0x2];
	[bflag:$0x3] =	sbarrier.arrive $0xFFFF;
	s2 =	simm.s32 @!p0 $0x1C01  }
0x47: {  	[timem:s3], [sflag:s2] =	dma.local @!p0 [hbm:s0], s1  }
0x48: {  	s0 =	simm.s32 @!p0 $0x1  }
0x49: {  	_ =	swait.ge @!p0 [sflag:s0], s1  }
0x4a: {  	s1 =	ssub.s32 @!p0 $0x0, s1;
	[sflag:s0] =	ssyncset.done @!p0 $0x0  }
0x4b: {  	[sflag:s0] =	ssyncadd.s32 @!p0 s1  }
0x4c: {  	[bflag:$0x3] =	sbarrier.arrive $0xFFFF  }
0x4d: {  	_ =	shalt  }

</sc_bundles>
